<compile_context>
chip_gen: v7x
topology: tpu7x:2x2x1
jax: 0.10.2.dev20260603
libtpu: 0.0.44.dev20260713+nightly
codegen_flags: <defaults>
</compile_context>

<pallas_src>
import functools

import jax
import jax.numpy as jnp
from jax import lax
from jax.experimental import pallas as pl
from jax.experimental.pallas import tpu as pltpu
from jax.experimental.pallas import tpu_sc as plsc

STEP = 1.0 / 7
LAMBDA_COORD = 5.0
LAMBDA_NOOBJ = 0.5

B = 16384
NW = 32
BW = B // NW
GROUPS = BW // 16
NCELL = 49


def _nsqrt(z):
    zi = lax.bitcast_convert_type(z, jnp.int32)
    yi = jnp.int32(0x1FBD1DF5) + lax.shift_right_logical(zi, 1)
    y = lax.bitcast_convert_type(yi, jnp.float32)
    return 0.5 * (y + z / y)


def _group_body(g, carry, acc_ref, pbuf, tbuf, parity, xf, yf):
    bb = g * 16

    def ld(c):
        sl = (parity, c, pl.ds(bb, 16))
        return pbuf[sl], tbuf[sl]

    p0, t0 = ld(0)
    p1, t1 = ld(1)
    p2, t2 = ld(2)
    p3, t3 = ld(3)
    p4, t4 = ld(4)
    p5, t5 = ld(5)
    p6, t6 = ld(6)
    p7, t7 = ld(7)
    p8, t8 = ld(8)
    p9, t9 = ld(9)

    sig = t9 > 0.0

    bx = (t0 + xf) * STEP
    by = (t1 + yf) * STEP
    thw = t2 * 0.5
    thh = t3 * 0.5
    tx1, ty1, tx2, ty2 = bx - thw, by - thh, bx + thw, by + thh
    a2 = t2 * t3

    def box(pa, pb, pc, pd):
        ax = (pa + xf) * STEP
        ay = (pb + yf) * STEP
        hw = pc * 0.5
        hh = pd * 0.5
        px1, py1, px2, py2 = ax - hw, ay - hh, ax + hw, ay + hh
        ltx = jnp.maximum(px1, tx1)
        lty = jnp.maximum(py1, ty1)
        rbx = jnp.minimum(px2, tx2)
        rby = jnp.minimum(py2, ty2)
        iw = jnp.maximum(rbx - ltx, 0.0)
        ih = jnp.maximum(rby - lty, 0.0)
        inter = iw * ih
        a1 = pc * pd
        iou = inter / (a1 + a2 - inter)
        return (px1, py1, px2, py2), iou

    c0, iou0 = box(p0, p1, p2, p3)
    c1, iou1 = box(p5, p6, p7, p8)

    one_is_max = iou1 > iou0
    iou_max = jnp.maximum(iou0, iou1)
    zero = jnp.zeros_like(iou_max)
    sig_max1 = sig & one_is_max

    conf_a = zero
    reg_a = zero

    for k in (0, 1):
        pk = (p0, p1, p2, p3, p4) if k == 0 else (p5, p6, p7, p8, p9)
        tk4 = t4 if k == 0 else t9
        if k == 0:
            pconf = jnp.where(sig, jnp.where(one_is_max, 0.0, iou_max), pk[4])
            obj_mask = (tk4 > 0.0) & jnp.logical_not(sig_max1)
        else:
            pconf = jnp.where(sig, jnp.where(one_is_max, iou_max, 0.0), pk[4])
            obj_mask = sig_max1
        d = pconf - tk4
        d2 = d * d
        conf_a = conf_a + jnp.where(obj_mask, d2, 0.5 * d2)

        ck = c0 if k == 0 else c1
        pc0 = jnp.where(sig, ck[0], pk[0])
        pc1 = jnp.where(sig, ck[1], pk[1])
        pc2 = jnp.where(sig, ck[2], pk[2])
        pc3 = jnp.where(sig, ck[3], pk[3])
        if k == 0:
            tc0 = jnp.where(sig, tx1, t0)
            tc1 = jnp.where(sig, ty1, t1)
            tc2 = jnp.where(sig, tx2, t2)
            tc3 = jnp.where(sig, ty2, t3)
        else:
            tc0, tc1, tc2, tc3 = t5, t6, t7, t8
        dx = pc0 - tc0
        dy = pc1 - tc1
        xy = dx * dx + dy * dy
        wh = (tc2 + pc2 - 2.0 * _nsqrt(tc2 * pc2)) + (tc3 + pc3 - 2.0 * _nsqrt(tc3 * pc3))
        reg_a = reg_a + jnp.where(obj_mask, xy + wh, 0.0)

    cls = zero
    for c in range(10, 30):
        pc, tc = ld(c)
        dc = pc - tc
        cls = cls + dc * dc
    cls_a = jnp.where(sig, cls, 0.0)

    plsc.addupdate(acc_ref.at[0, pl.ds(0, 16)], conf_a)
    plsc.addupdate(acc_ref.at[1, pl.ds(0, 16)], reg_a)
    plsc.addupdate(acc_ref.at[2, pl.ds(0, 16)], cls_a)
    return 0


def _yolo_body(pred_hbm, targ_hbm, out_hbm, pbuf, tbuf, acc_ref, semp, semt):
    wid = lax.axis_index("s") * 2 + lax.axis_index("c")
    b0 = wid * BW

    zeros16 = jnp.zeros((16,), jnp.float32)
    for j in range(8):
        for h in range(8):
            acc_ref[j, pl.ds(h * 16, 16)] = zeros16

    def start(cell, parity):
        y = cell // 7
        x = cell - y * 7
        pltpu.make_async_copy(
            pred_hbm.at[y, x, pl.ds(0, 30), pl.ds(b0, BW)],
            pbuf.at[parity], semp).start()
        pltpu.make_async_copy(
            targ_hbm.at[y, x, pl.ds(0, 30), pl.ds(b0, BW)],
            tbuf.at[parity], semt).start()

    def wait():
        pltpu.make_async_copy(
            pred_hbm.at[0, 0, pl.ds(0, 30), pl.ds(b0, BW)],
            pbuf.at[0], semp).wait()
        pltpu.make_async_copy(
            targ_hbm.at[0, 0, pl.ds(0, 30), pl.ds(b0, BW)],
            tbuf.at[0], semt).wait()

    start(0, 0)

    def cell_body(cell, carry):
        parity = lax.rem(cell, 2)

        @pl.when(cell + 1 < NCELL)
        def _():
            start(cell + 1, 1 - parity)

        wait()
        y = cell // 7
        x = cell - y * 7
        xf = x.astype(jnp.float32)
        yf = y.astype(jnp.float32)
        lax.fori_loop(
            0, GROUPS,
            functools.partial(_group_body, acc_ref=acc_ref, pbuf=pbuf,
                              tbuf=tbuf, parity=parity, xf=xf, yf=yf),
            0, unroll=False)
        return carry

    lax.fori_loop(0, NCELL, cell_body, 0, unroll=False)

    pltpu.sync_copy(acc_ref, out_hbm.at[wid])


_yolo_sc = functools.partial(
    pl.kernel,
    out_type=jax.ShapeDtypeStruct((NW, 8, 128), jnp.float32),
    mesh=plsc.VectorSubcoreMesh(core_axis_name="c", subcore_axis_name="s"),
    compiler_params=pltpu.CompilerParams(
        needs_layout_passes=False, use_tc_tiling_on_sc=True),
    scratch_types=[
        pltpu.VMEM((2, 30, BW), jnp.float32),
        pltpu.VMEM((2, 30, BW), jnp.float32),
        pltpu.VMEM((8, 128), jnp.float32),
        pltpu.SemaphoreType.DMA,
        pltpu.SemaphoreType.DMA,
    ],
)(_yolo_body)


def kernel(pred, target):
    pt = jnp.transpose(pred, (1, 2, 3, 0))
    tt = jnp.transpose(target, (1, 2, 3, 0))
    parts = _yolo_sc(pt, tt)
    s = jnp.sum(parts, axis=(0, 2))
    conf = s[0] / B
    reg = LAMBDA_COORD * s[1] / B
    cls = s[2] / B
    return jnp.stack([conf, reg, cls])

# --- scband reference (transcript-rebuilt; emitter-appended) ---
"""Pipeline reference for scband-yolo-loss-1322849927465 (READ-ONLY COPY).

The authoritative reference and input builder live on the scoring server;
editing this copy changes nothing except your own understanding.
"""

import jax, jax.numpy as jnp
import numpy as np

S = 7
STEP = 1.0 / 7
LAMBDA_COORD = 5.0
LAMBDA_NOOBJ = 0.5


def _convert(box, i, j):
    # center format (cx, cy, w, h) within cell -> absolute corner format (x1, y1, x2, y2)
    cx, cy, w, h = box[..., 0], box[..., 1], box[..., 2], box[..., 3]
    return jnp.stack([(cx + i) * STEP - w / 2,
                      (cy + j) * STEP - h / 2,
                      (cx + i) * STEP + w / 2,
                      (cy + j) * STEP + h / 2], axis=-1)


def _forward(pred, target):
    B = pred.shape[0]
    tb = target[..., :10].reshape(B, 7, 7, 2, 5)
    pb = pred[..., :10].reshape(B, 7, 7, 2, 5)
    tcls = target[..., 10:]
    pcls = pred[..., 10:]
    obj_mask0 = tb[..., 4] > 0           # [B,7,7,2]
    sig = obj_mask0[..., 1]              # [B,7,7]
    # grid coordinates: torch loop passes index=[x, y] to conver_box, so i=x (dim 2), j=y (dim 1)
    j = jnp.arange(7, dtype=pred.dtype).reshape(1, 7, 1)   # y (dim 1)
    i = jnp.arange(7, dtype=pred.dtype).reshape(1, 1, 7)   # x (dim 2)
    # conver_box mutates the views in-place in torch: both pred boxes and target box 0
    pb_conv = _convert(pb[..., :4], i[..., None], j[..., None])   # [B,7,7,2,4]
    tb0_conv = _convert(tb[..., 0, :4], i, j)                      # [B,7,7,4]
    # IoU of each pred box with target box 0 (both converted)
    lt = jnp.maximum(pb_conv[..., :2], tb0_conv[..., None, :2])
    rb = jnp.minimum(pb_conv[..., 2:], tb0_conv[..., None, 2:])
    wh = jnp.maximum(rb - lt, 0.0)
    inter = wh[..., 0] * wh[..., 1]                                # [B,7,7,2]
    a1 = (pb_conv[..., 2] - pb_conv[..., 0]) * (pb_conv[..., 3] - pb_conv[..., 1])
    a2 = ((tb0_conv[..., 2] - tb0_conv[..., 0]) * (tb0_conv[..., 3] - tb0_conv[..., 1]))[..., None]
    ious = inter / (a1 + a2 - inter)                               # [B,7,7,2]
    max_i = jnp.argmax(ious, axis=-1)                              # [B,7,7]
    iou_max = jax.lax.stop_gradient(jnp.max(ious, axis=-1))       # .item() in torch detaches
    is_max = jnp.arange(2).reshape(1, 1, 1, 2) == max_i[..., None]  # [B,7,7,2]
    # pred conf rewritten in sig cells: iou (const) at max_i, 0 at the other box
    pconf = jnp.where(sig[..., None], jnp.where(is_max, iou_max[..., None], 0.0), pb[..., 4])
    # obj_mask[cell, 1-max_i] cleared at sig cells
    obj_mask = obj_mask0 & ~(sig[..., None] & ~is_max)
    noobj_mask = ~obj_mask
    # coordinates: at sig cells the in-place conversion persists into the losses
    p_coords = jnp.where(sig[..., None, None], pb_conv, pb[..., :4])           # [B,7,7,2,4]
    t0 = jnp.where(sig[..., None], tb0_conv, tb[..., 0, :4])
    t_coords = jnp.concatenate([t0[..., None, :], tb[..., 1:2, :4]], axis=-2)  # [B,7,7,2,4]
    tconf = tb[..., 4]
    mo = obj_mask.astype(pred.dtype)
    mn = noobj_mask.astype(pred.dtype)
    ms = sig.astype(pred.dtype)
    noobj_loss = jnp.sum(mn * (pconf - tconf) ** 2)
    obj_loss = jnp.sum(mo * (pconf - tconf) ** 2)
    xy_loss = jnp.sum(mo[..., None] * (p_coords[..., :2] - t_coords[..., :2]) ** 2)
    wh_loss = jnp.sum(mo[..., None] * (jnp.sqrt(t_coords[..., 2:4]) - jnp.sqrt(p_coords[..., 2:4])) ** 2)
    cls_loss = jnp.sum(ms[..., None] * (pcls - tcls) ** 2)
    conf_loss = (obj_loss + LAMBDA_NOOBJ * noobj_loss) / B
    reg_loss = (LAMBDA_COORD * xy_loss + LAMBDA_COORD * wh_loss) / B
    return jnp.stack([conf_loss, reg_loss, cls_loss / B])


def setup_inputs(seed: int = 0) -> dict:
    key = jax.random.key(seed)
    k1, k2 = jax.random.split(key)
    B = 16384
    # keep all raw values strictly inside (0,1) so sqrt terms stay finite
    pred = jax.random.uniform(k1, (B, 7, 7, 30), dtype=jnp.float32, minval=0.05, maxval=0.95)
    target = jax.random.uniform(k2, (B, 7, 7, 30), dtype=jnp.float32, minval=0.05, maxval=0.95)
    # object cells only at grid positions y>=4 and x>=4 so converted corner coords stay positive
    ys = jnp.arange(7).reshape(7, 1)
    xs = jnp.arange(7).reshape(1, 7)
    cell_ok = ((ys >= 4) & (xs >= 4)).astype(jnp.float32)          # [7,7]
    chan_is_conf = jnp.zeros((30,), dtype=bool).at[jnp.array([4, 9])].set(True)
    mask = jnp.where(chan_is_conf, cell_ok[..., None], 1.0)        # [7,7,30]
    target = target * mask
    return {"pred": pred, "target": target}


def reference(pred, target):
    # returns stacked [conf_loss, reg_loss, cls_loss]
    return _forward(pred, target)

if __name__ == "__main__":
    import jax
    _d = setup_inputs()
    print(jax.jit(kernel)(*tuple(_d.values())))

</pallas_src>

<mosaic_0001>
#map = affine_map<(d0, d1) -> (0, 0, 0, 0)>
#map1 = affine_map<(d0, d1) -> (0, 0, 0)>
module attributes {stable_mosaic.version = 14 : i64} {
  func.func @_yolo_body(%arg0: i32, %arg1: i32, %arg2: memref<7x7x30x16384xf32, #tpu.memory_space<hbm>>, %arg3: memref<7x7x30x16384xf32, #tpu.memory_space<hbm>>, %arg4: memref<32x8x128xf32, #tpu.memory_space<hbm>>, %arg5: memref<2x30x512xf32, #tpu.memory_space<vmem>>, %arg6: memref<2x30x512xf32, #tpu.memory_space<vmem>>, %arg7: memref<8x128xf32, #tpu.memory_space<vmem>>, %arg8: memref<!tpu.dma_semaphore, #tpu.memory_space<semaphore_mem>>, %arg9: memref<!tpu.dma_semaphore, #tpu.memory_space<semaphore_mem>>) attributes {dimension_semantics = [#tpu.dimension_semantics<core_parallel>, #tpu.dimension_semantics<subcore_parallel>], iteration_bounds = array<i64: 2, 16>, scalar_prefetch = 0 : i64, scratch_operands = 5 : i64, tpu.core_type = #tpu.core_type<sc_vector_subcore>, window_params = [{transform_indices = #map}, {transform_indices = #map}, {transform_indices = #map1}]} {
    %mul3A = arith.constant 2 : i32
    %mul3A_0 = arith.muli %arg1, %mul3A : i32
    %add3A = arith.addi %mul3A_0, %arg0 : i32
    %mul3A_1 = arith.constant 512 : i32
    %mul3A_2 = arith.muli %add3A, %mul3A_1 : i32
    %broadcast_in_dim3A = arith.constant 0.000000e+00 : f32
    %broadcast_in_dim3A_3 = vector.broadcast %broadcast_in_dim3A : f32 to vector<16xf32>
    %swap3A = arith.constant 0 : i32
    %swap3A_4 = arith.index_cast %swap3A : i32 to index
    %swap3A_5 = arith.constant 0 : index
    %swap3A_6 = tpu.vector_load %arg7[%swap3A_4, %swap3A_5] {strides = array<i32>} : memref<8x128xf32, #tpu.memory_space<vmem>>, vector<16xf32>,
    tpu.vector_store %arg7[%swap3A_4, %swap3A_5], %broadcast_in_dim3A_3 {strides = array<i32>} : memref<8x128xf32, #tpu.memory_space<vmem>>, vector<16xf32>,
    %swap3A_7 = arith.constant 0 : i32
    %swap3A_8 = arith.index_cast %swap3A_7 : i32 to index
    %swap3A_9 = arith.constant 16 : index
    %swap3A_10 = tpu.vector_load %arg7[%swap3A_8, %swap3A_9] {strides = array<i32>} : memref<8x128xf32, #tpu.memory_space<vmem>>, vector<16xf32>,
    tpu.vector_store %arg7[%swap3A_8, %swap3A_9], %broadcast_in_dim3A_3 {strides = array<i32>} : memref<8x128xf32, #tpu.memory_space<vmem>>, vector<16xf32>,
    %swap3A_11 = arith.constant 0 : i32
    %swap3A_12 = arith.index_cast %swap3A_11 : i32 to index
    %swap3A_13 = arith.constant 32 : index
    %swap3A_14 = tpu.vector_load %arg7[%swap3A_12, %swap3A_13] {strides = array<i32>} : memref<8x128xf32, #tpu.memory_space<vmem>>, vector<16xf32>,
    tpu.vector_store %arg7[%swap3A_12, %swap3A_13], %broadcast_in_dim3A_3 {strides = array<i32>} : memref<8x128xf32, #tpu.memory_space<vmem>>, vector<16xf32>,
    %swap3A_15 = arith.constant 0 : i32
    %swap3A_16 = arith.index_cast %swap3A_15 : i32 to index
    %swap3A_17 = arith.constant 48 : index
    %swap3A_18 = tpu.vector_load %arg7[%swap3A_16, %swap3A_17] {strides = array<i32>} : memref<8x128xf32, #tpu.memory_space<vmem>>, vector<16xf32>,
    tpu.vector_store %arg7[%swap3A_16, %swap3A_17], %broadcast_in_dim3A_3 {strides = array<i32>} : memref<8x128xf32, #tpu.memory_space<vmem>>, vector<16xf32>,
    %swap3A_19 = arith.constant 0 : i32
    %swap3A_20 = arith.index_cast %swap3A_19 : i32 to index
    %swap3A_21 = arith.constant 64 : index
    %swap3A_22 = tpu.vector_load %arg7[%swap3A_20, %swap3A_21] {strides = array<i32>} : memref<8x128xf32, #tpu.memory_space<vmem>>, vector<16xf32>,
    tpu.vector_store %arg7[%swap3A_20, %swap3A_21], %broadcast_in_dim3A_3 {strides = array<i32>} : memref<8x128xf32, #tpu.memory_space<vmem>>, vector<16xf32>,
    %swap3A_23 = arith.constant 0 : i32
    %swap3A_24 = arith.index_cast %swap3A_23 : i32 to index
    %swap3A_25 = arith.constant 80 : index
    %swap3A_26 = tpu.vector_load %arg7[%swap3A_24, %swap3A_25] {strides = array<i32>} : memref<8x128xf32, #tpu.memory_space<vmem>>, vector<16xf32>,
    tpu.vector_store %arg7[%swap3A_24, %swap3A_25], %broadcast_in_dim3A_3 {strides = array<i32>} : memref<8x128xf32, #tpu.memory_space<vmem>>, vector<16xf32>,
    %swap3A_27 = arith.constant 0 : i32
    %swap3A_28 = arith.index_cast %swap3A_27 : i32 to index
    %swap3A_29 = arith.constant 96 : index
    %swap3A_30 = tpu.vector_load %arg7[%swap3A_28, %swap3A_29] {strides = array<i32>} : memref<8x128xf32, #tpu.memory_space<vmem>>, vector<16xf32>,
    tpu.vector_store %arg7[%swap3A_28, %swap3A_29], %broadcast_in_dim3A_3 {strides = array<i32>} : memref<8x128xf32, #tpu.memory_space<vmem>>, vector<16xf32>,
    %swap3A_31 = arith.constant 0 : i32
    %swap3A_32 = arith.index_cast %swap3A_31 : i32 to index
    %swap3A_33 = arith.constant 112 : index
    %swap3A_34 = tpu.vector_load %arg7[%swap3A_32, %swap3A_33] {strides = array<i32>} : memref<8x128xf32, #tpu.memory_space<vmem>>, vector<16xf32>,
    tpu.vector_store %arg7[%swap3A_32, %swap3A_33], %broadcast_in_dim3A_3 {strides = array<i32>} : memref<8x128xf32, #tpu.memory_space<vmem>>, vector<16xf32>,
    %swap3A_35 = arith.constant 1 : i32
    %swap3A_36 = arith.index_cast %swap3A_35 : i32 to index
    %swap3A_37 = arith.constant 0 : index
    %swap3A_38 = tpu.vector_load %arg7[%swap3A_36, %swap3A_37] {strides = array<i32>} : memref<8x128xf32, #tpu.memory_space<vmem>>, vector<16xf32>,
    tpu.vector_store %arg7[%swap3A_36, %swap3A_37], %broadcast_in_dim3A_3 {strides = array<i32>} : memref<8x128xf32, #tpu.memory_space<vmem>>, vector<16xf32>,
    %swap3A_39 = arith.constant 1 : i32
    %swap3A_40 = arith.index_cast %swap3A_39 : i32 to index
    %swap3A_41 = arith.constant 16 : index
    %swap3A_42 = tpu.vector_load %arg7[%swap3A_40, %swap3A_41] {strides = array<i32>} : memref<8x128xf32, #tpu.memory_space<vmem>>, vector<16xf32>,
    tpu.vector_store %arg7[%swap3A_40, %swap3A_41], %broadcast_in_dim3A_3 {strides = array<i32>} : memref<8x128xf32, #tpu.memory_space<vmem>>, vector<16xf32>,
    %swap3A_43 = arith.constant 1 : i32
    %swap3A_44 = arith.index_cast %swap3A_43 : i32 to index
    %swap3A_45 = arith.constant 32 : index
    %swap3A_46 = tpu.vector_load %arg7[%swap3A_44, %swap3A_45] {strides = array<i32>} : memref<8x128xf32, #tpu.memory_space<vmem>>, vector<16xf32>,
    tpu.vector_store %arg7[%swap3A_44, %swap3A_45], %broadcast_in_dim3A_3 {strides = array<i32>} : memref<8x128xf32, #tpu.memory_space<vmem>>, vector<16xf32>,
    %swap3A_47 = arith.constant 1 : i32
    %swap3A_48 = arith.index_cast %swap3A_47 : i32 to index
    %swap3A_49 = arith.constant 48 : index
    %swap3A_50 = tpu.vector_load %arg7[%swap3A_48, %swap3A_49] {strides = array<i32>} : memref<8x128xf32, #tpu.memory_space<vmem>>, vector<16xf32>,
    tpu.vector_store %arg7[%swap3A_48, %swap3A_49], %broadcast_in_dim3A_3 {strides = array<i32>} : memref<8x128xf32, #tpu.memory_space<vmem>>, vector<16xf32>,
    %swap3A_51 = arith.constant 1 : i32
    %swap3A_52 = arith.index_cast %swap3A_51 : i32 to index
    %swap3A_53 = arith.constant 64 : index
    %swap3A_54 = tpu.vector_load %arg7[%swap3A_52, %swap3A_53] {strides = array<i32>} : memref<8x128xf32, #tpu.memory_space<vmem>>, vector<16xf32>,
    tpu.vector_store %arg7[%swap3A_52, %swap3A_53], %broadcast_in_dim3A_3 {strides = array<i32>} : memref<8x128xf32, #tpu.memory_space<vmem>>, vector<16xf32>,
    %swap3A_55 = arith.constant 1 : i32
    %swap3A_56 = arith.index_cast %swap3A_55 : i32 to index
    %swap3A_57 = arith.constant 80 : index
    %swap3A_58 = tpu.vector_load %arg7[%swap3A_56, %swap3A_57] {strides = array<i32>} : memref<8x128xf32, #tpu.memory_space<vmem>>, vector<16xf32>,
    tpu.vector_store %arg7[%swap3A_56, %swap3A_57], %broadcast_in_dim3A_3 {strides = array<i32>} : memref<8x128xf32, #tpu.memory_space<vmem>>, vector<16xf32>,
    %swap3A_59 = arith.constant 1 : i32
    %swap3A_60 = arith.index_cast %swap3A_59 : i32 to index
    %swap3A_61 = arith.constant 96 : index
    %swap3A_62 = tpu.vector_load %arg7[%swap3A_60, %swap3A_61] {strides = array<i32>} : memref<8x128xf32, #tpu.memory_space<vmem>>, vector<16xf32>,
    tpu.vector_store %arg7[%swap3A_60, %swap3A_61], %broadcast_in_dim3A_3 {strides = array<i32>} : memref<8x128xf32, #tpu.memory_space<vmem>>, vector<16xf32>,
    %swap3A_63 = arith.constant 1 : i32
    %swap3A_64 = arith.index_cast %swap3A_63 : i32 to index
    %swap3A_65 = arith.constant 112 : index
    %swap3A_66 = tpu.vector_load %arg7[%swap3A_64, %swap3A_65] {strides = array<i32>} : memref<8x128xf32, #tpu.memory_space<vmem>>, vector<16xf32>,
    tpu.vector_store %arg7[%swap3A_64, %swap3A_65], %broadcast_in_dim3A_3 {strides = array<i32>} : memref<8x128xf32, #tpu.memory_space<vmem>>, vector<16xf32>,
    %swap3A_67 = arith.constant 2 : i32
    %swap3A_68 = arith.index_cast %swap3A_67 : i32 to index
    %swap3A_69 = arith.constant 0 : index
    %swap3A_70 = tpu.vector_load %arg7[%swap3A_68, %swap3A_69] {strides = array<i32>} : memref<8x128xf32, #tpu.memory_space<vmem>>, vector<16xf32>,
    tpu.vector_store %arg7[%swap3A_68, %swap3A_69], %broadcast_in_dim3A_3 {strides = array<i32>} : memref<8x128xf32, #tpu.memory_space<vmem>>, vector<16xf32>,
    %swap3A_71 = arith.constant 2 : i32
    %swap3A_72 = arith.index_cast %swap3A_71 : i32 to index
    %swap3A_73 = arith.constant 16 : index
    %swap3A_74 = tpu.vector_load %arg7[%swap3A_72, %swap3A_73] {strides = array<i32>} : memref<8x128xf32, #tpu.memory_space<vmem>>, vector<16xf32>,
    tpu.vector_store %arg7[%swap3A_72, %swap3A_73], %broadcast_in_dim3A_3 {strides = array<i32>} : memref<8x128xf32, #tpu.memory_space<vmem>>, vector<16xf32>,
    %swap3A_75 = arith.constant 2 : i32
    %swap3A_76 = arith.index_cast %swap3A_75 : i32 to index
    %swap3A_77 = arith.constant 32 : index
    %swap3A_78 = tpu.vector_load %arg7[%swap3A_76, %swap3A_77] {strides = array<i32>} : memref<8x128xf32, #tpu.memory_space<vmem>>, vector<16xf32>,
    tpu.vector_store %arg7[%swap3A_76, %swap3A_77], %broadcast_in_dim3A_3 {strides = array<i32>} : memref<8x128xf32, #tpu.memory_space<vmem>>, vector<16xf32>,
    %swap3A_79 = arith.constant 2 : i32
    %swap3A_80 = arith.index_cast %swap3A_79 : i32 to index
    %swap3A_81 = arith.constant 48 : index
    %swap3A_82 = tpu.vector_load %arg7[%swap3A_80, %swap3A_81] {strides = array<i32>} : memref<8x128xf32, #tpu.memory_space<vmem>>, vector<16xf32>,
    tpu.vector_store %arg7[%swap3A_80, %swap3A_81], %broadcast_in_dim3A_3 {strides = array<i32>} : memref<8x128xf32, #tpu.memory_space<vmem>>, vector<16xf32>,
    %swap3A_83 = arith.constant 2 : i32
    %swap3A_84 = arith.index_cast %swap3A_83 : i32 to index
    %swap3A_85 = arith.constant 64 : index
    %swap3A_86 = tpu.vector_load %arg7[%swap3A_84, %swap3A_85] {strides = array<i32>} : memref<8x128xf32, #tpu.memory_space<vmem>>, vector<16xf32>,
    tpu.vector_store %arg7[%swap3A_84, %swap3A_85], %broadcast_in_dim3A_3 {strides = array<i32>} : memref<8x128xf32, #tpu.memory_space<vmem>>, vector<16xf32>,
    %swap3A_87 = arith.constant 2 : i32
    %swap3A_88 = arith.index_cast %swap3A_87 : i32 to index
    %swap3A_89 = arith.constant 80 : index
    %swap3A_90 = tpu.vector_load %arg7[%swap3A_88, %swap3A_89] {strides = array<i32>} : memref<8x128xf32, #tpu.memory_space<vmem>>, vector<16xf32>,
    tpu.vector_store %arg7[%swap3A_88, %swap3A_89], %broadcast_in_dim3A_3 {strides = array<i32>} : memref<8x128xf32, #tpu.memory_space<vmem>>, vector<16xf32>,
    %swap3A_91 = arith.constant 2 : i32
    %swap3A_92 = arith.index_cast %swap3A_91 : i32 to index
    %swap3A_93 = arith.constant 96 : index
    %swap3A_94 = tpu.vector_load %arg7[%swap3A_92, %swap3A_93] {strides = array<i32>} : memref<8x128xf32, #tpu.memory_space<vmem>>, vector<16xf32>,
    tpu.vector_store %arg7[%swap3A_92, %swap3A_93], %broadcast_in_dim3A_3 {strides = array<i32>} : memref<8x128xf32, #tpu.memory_space<vmem>>, vector<16xf32>,
    %swap3A_95 = arith.constant 2 : i32
    %swap3A_96 = arith.index_cast %swap3A_95 : i32 to index
    %swap3A_97 = arith.constant 112 : index
    %swap3A_98 = tpu.vector_load %arg7[%swap3A_96, %swap3A_97] {strides = array<i32>} : memref<8x128xf32, #tpu.memory_space<vmem>>, vector<16xf32>,
    tpu.vector_store %arg7[%swap3A_96, %swap3A_97], %broadcast_in_dim3A_3 {strides = array<i32>} : memref<8x128xf32, #tpu.memory_space<vmem>>, vector<16xf32>,
    %swap3A_99 = arith.constant 3 : i32
    %swap3A_100 = arith.index_cast %swap3A_99 : i32 to index
    %swap3A_101 = arith.constant 0 : index
    %swap3A_102 = tpu.vector_load %arg7[%swap3A_100, %swap3A_101] {strides = array<i32>} : memref<8x128xf32, #tpu.memory_space<vmem>>, vector<16xf32>,
    tpu.vector_store %arg7[%swap3A_100, %swap3A_101], %broadcast_in_dim3A_3 {strides = array<i32>} : memref<8x128xf32, #tpu.memory_space<vmem>>, vector<16xf32>,
    %swap3A_103 = arith.constant 3 : i32
    %swap3A_104 = arith.index_cast %swap3A_103 : i32 to index
    %swap3A_105 = arith.constant 16 : index
    %swap3A_106 = tpu.vector_load %arg7[%swap3A_104, %swap3A_105] {strides = array<i32>} : memref<8x128xf32, #tpu.memory_space<vmem>>, vector<16xf32>,
    tpu.vector_store %arg7[%swap3A_104, %swap3A_105], %broadcast_in_dim3A_3 {strides = array<i32>} : memref<8x128xf32, #tpu.memory_space<vmem>>, vector<16xf32>,
    %swap3A_107 = arith.constant 3 : i32
    %swap3A_108 = arith.index_cast %swap3A_107 : i32 to index
    %swap3A_109 = arith.constant 32 : index
    %swap3A_110 = tpu.vector_load %arg7[%swap3A_108, %swap3A_109] {strides = array<i32>} : memref<8x128xf32, #tpu.memory_space<vmem>>, vector<16xf32>,
    tpu.vector_store %arg7[%swap3A_108, %swap3A_109], %broadcast_in_dim3A_3 {strides = array<i32>} : memref<8x128xf32, #tpu.memory_space<vmem>>, vector<16xf32>,
    %swap3A_111 = arith.constant 3 : i32
    %swap3A_112 = arith.index_cast %swap3A_111 : i32 to index
    %swap3A_113 = arith.constant 48 : index
    %swap3A_114 = tpu.vector_load %arg7[%swap3A_112, %swap3A_113] {strides = array<i32>} : memref<8x128xf32, #tpu.memory_space<vmem>>, vector<16xf32>,
    tpu.vector_store %arg7[%swap3A_112, %swap3A_113], %broadcast_in_dim3A_3 {strides = array<i32>} : memref<8x128xf32, #tpu.memory_space<vmem>>, vector<16xf32>,
    %swap3A_115 = arith.constant 3 : i32
    %swap3A_116 = arith.index_cast %swap3A_115 : i32 to index
    %swap3A_117 = arith.constant 64 : index
    %swap3A_118 = tpu.vector_load %arg7[%swap3A_116, %swap3A_117] {strides = array<i32>} : memref<8x128xf32, #tpu.memory_space<vmem>>, vector<16xf32>,
    tpu.vector_store %arg7[%swap3A_116, %swap3A_117], %broadcast_in_dim3A_3 {strides = array<i32>} : memref<8x128xf32, #tpu.memory_space<vmem>>, vector<16xf32>,
    %swap3A_119 = arith.constant 3 : i32
    %swap3A_120 = arith.index_cast %swap3A_119 : i32 to index
    %swap3A_121 = arith.constant 80 : index
    %swap3A_122 = tpu.vector_load %arg7[%swap3A_120, %swap3A_121] {strides = array<i32>} : memref<8x128xf32, #tpu.memory_space<vmem>>, vector<16xf32>,
    tpu.vector_store %arg7[%swap3A_120, %swap3A_121], %broadcast_in_dim3A_3 {strides = array<i32>} : memref<8x128xf32, #tpu.memory_space<vmem>>, vector<16xf32>,
    %swap3A_123 = arith.constant 3 : i32
    %swap3A_124 = arith.index_cast %swap3A_123 : i32 to index
    %swap3A_125 = arith.constant 96 : index
    %swap3A_126 = tpu.vector_load %arg7[%swap3A_124, %swap3A_125] {strides = array<i32>} : memref<8x128xf32, #tpu.memory_space<vmem>>, vector<16xf32>,
    tpu.vector_store %arg7[%swap3A_124, %swap3A_125], %broadcast_in_dim3A_3 {strides = array<i32>} : memref<8x128xf32, #tpu.memory_space<vmem>>, vector<16xf32>,
    %swap3A_127 = arith.constant 3 : i32
    %swap3A_128 = arith.index_cast %swap3A_127 : i32 to index
    %swap3A_129 = arith.constant 112 : index
    %swap3A_130 = tpu.vector_load %arg7[%swap3A_128, %swap3A_129] {strides = array<i32>} : memref<8x128xf32, #tpu.memory_space<vmem>>, vector<16xf32>,
    tpu.vector_store %arg7[%swap3A_128, %swap3A_129], %broadcast_in_dim3A_3 {strides = array<i32>} : memref<8x128xf32, #tpu.memory_space<vmem>>, vector<16xf32>,
    %swap3A_131 = arith.constant 4 : i32
    %swap3A_132 = arith.index_cast %swap3A_131 : i32 to index
    %swap3A_133 = arith.constant 0 : index
    %swap3A_134 = tpu.vector_load %arg7[%swap3A_132, %swap3A_133] {strides = array<i32>} : memref<8x128xf32, #tpu.memory_space<vmem>>, vector<16xf32>,
    tpu.vector_store %arg7[%swap3A_132, %swap3A_133], %broadcast_in_dim3A_3 {strides = array<i32>} : memref<8x128xf32, #tpu.memory_space<vmem>>, vector<16xf32>,
    %swap3A_135 = arith.constant 4 : i32
    %swap3A_136 = arith.index_cast %swap3A_135 : i32 to index
    %swap3A_137 = arith.constant 16 : index
    %swap3A_138 = tpu.vector_load %arg7[%swap3A_136, %swap3A_137] {strides = array<i32>} : memref<8x128xf32, #tpu.memory_space<vmem>>, vector<16xf32>,
    tpu.vector_store %arg7[%swap3A_136, %swap3A_137], %broadcast_in_dim3A_3 {strides = array<i32>} : memref<8x128xf32, #tpu.memory_space<vmem>>, vector<16xf32>,
    %swap3A_139 = arith.constant 4 : i32
    %swap3A_140 = arith.index_cast %swap3A_139 : i32 to index
    %swap3A_141 = arith.constant 32 : index
    %swap3A_142 = tpu.vector_load %arg7[%swap3A_140, %swap3A_141] {strides = array<i32>} : memref<8x128xf32, #tpu.memory_space<vmem>>, vector<16xf32>,
    tpu.vector_store %arg7[%swap3A_140, %swap3A_141], %broadcast_in_dim3A_3 {strides = array<i32>} : memref<8x128xf32, #tpu.memory_space<vmem>>, vector<16xf32>,
    %swap3A_143 = arith.constant 4 : i32
    %swap3A_144 = arith.index_cast %swap3A_143 : i32 to index
    %swap3A_145 = arith.constant 48 : index
    %swap3A_146 = tpu.vector_load %arg7[%swap3A_144, %swap3A_145] {strides = array<i32>} : memref<8x128xf32, #tpu.memory_space<vmem>>, vector<16xf32>,
    tpu.vector_store %arg7[%swap3A_144, %swap3A_145], %broadcast_in_dim3A_3 {strides = array<i32>} : memref<8x128xf32, #tpu.memory_space<vmem>>, vector<16xf32>,
    %swap3A_147 = arith.constant 4 : i32
    %swap3A_148 = arith.index_cast %swap3A_147 : i32 to index
    %swap3A_149 = arith.constant 64 : index
    %swap3A_150 = tpu.vector_load %arg7[%swap3A_148, %swap3A_149] {strides = array<i32>} : memref<8x128xf32, #tpu.memory_space<vmem>>, vector<16xf32>,
    tpu.vector_store %arg7[%swap3A_148, %swap3A_149], %broadcast_in_dim3A_3 {strides = array<i32>} : memref<8x128xf32, #tpu.memory_space<vmem>>, vector<16xf32>,
    %swap3A_151 = arith.constant 4 : i32
    %swap3A_152 = arith.index_cast %swap3A_151 : i32 to index
    %swap3A_153 = arith.constant 80 : index
    %swap3A_154 = tpu.vector_load %arg7[%swap3A_152, %swap3A_153] {strides = array<i32>} : memref<8x128xf32, #tpu.memory_space<vmem>>, vector<16xf32>,
    tpu.vector_store %arg7[%swap3A_152, %swap3A_153], %broadcast_in_dim3A_3 {strides = array<i32>} : memref<8x128xf32, #tpu.memory_space<vmem>>, vector<16xf32>,
    %swap3A_155 = arith.constant 4 : i32
    %swap3A_156 = arith.index_cast %swap3A_155 : i32 to index
    %swap3A_157 = arith.constant 96 : index
    %swap3A_158 = tpu.vector_load %arg7[%swap3A_156, %swap3A_157] {strides = array<i32>} : memref<8x128xf32, #tpu.memory_space<vmem>>, vector<16xf32>,
    tpu.vector_store %arg7[%swap3A_156, %swap3A_157], %broadcast_in_dim3A_3 {strides = array<i32>} : memref<8x128xf32, #tpu.memory_space<vmem>>, vector<16xf32>,
    %swap3A_159 = arith.constant 4 : i32
    %swap3A_160 = arith.index_cast %swap3A_159 : i32 to index
    %swap3A_161 = arith.constant 112 : index
    %swap3A_162 = tpu.vector_load %arg7[%swap3A_160, %swap3A_161] {strides = array<i32>} : memref<8x128xf32, #tpu.memory_space<vmem>>, vector<16xf32>,
    tpu.vector_store %arg7[%swap3A_160, %swap3A_161], %broadcast_in_dim3A_3 {strides = array<i32>} : memref<8x128xf32, #tpu.memory_space<vmem>>, vector<16xf32>,
    %swap3A_163 = arith.constant 5 : i32
    %swap3A_164 = arith.index_cast %swap3A_163 : i32 to index
    %swap3A_165 = arith.constant 0 : index
    %swap3A_166 = tpu.vector_load %arg7[%swap3A_164, %swap3A_165] {strides = array<i32>} : memref<8x128xf32, #tpu.memory_space<vmem>>, vector<16xf32>,
    tpu.vector_store %arg7[%swap3A_164, %swap3A_165], %broadcast_in_dim3A_3 {strides = array<i32>} : memref<8x128xf32, #tpu.memory_space<vmem>>, vector<16xf32>,
    %swap3A_167 = arith.constant 5 : i32
    %swap3A_168 = arith.index_cast %swap3A_167 : i32 to index
    %swap3A_169 = arith.constant 16 : index
    %swap3A_170 = tpu.vector_load %arg7[%swap3A_168, %swap3A_169] {strides = array<i32>} : memref<8x128xf32, #tpu.memory_space<vmem>>, vector<16xf32>,
    tpu.vector_store %arg7[%swap3A_168, %swap3A_169], %broadcast_in_dim3A_3 {strides = array<i32>} : memref<8x128xf32, #tpu.memory_space<vmem>>, vector<16xf32>,
    %swap3A_171 = arith.constant 5 : i32
    %swap3A_172 = arith.index_cast %swap3A_171 : i32 to index
    %swap3A_173 = arith.constant 32 : index
    %swap3A_174 = tpu.vector_load %arg7[%swap3A_172, %swap3A_173] {strides = array<i32>} : memref<8x128xf32, #tpu.memory_space<vmem>>, vector<16xf32>,
    tpu.vector_store %arg7[%swap3A_172, %swap3A_173], %broadcast_in_dim3A_3 {strides = array<i32>} : memref<8x128xf32, #tpu.memory_space<vmem>>, vector<16xf32>,
    %swap3A_175 = arith.constant 5 : i32
    %swap3A_176 = arith.index_cast %swap3A_175 : i32 to index
    %swap3A_177 = arith.constant 48 : index
    %swap3A_178 = tpu.vector_load %arg7[%swap3A_176, %swap3A_177] {strides = array<i32>} : memref<8x128xf32, #tpu.memory_space<vmem>>, vector<16xf32>,
    tpu.vector_store %arg7[%swap3A_176, %swap3A_177], %broadcast_in_dim3A_3 {strides = array<i32>} : memref<8x128xf32, #tpu.memory_space<vmem>>, vector<16xf32>,
    %swap3A_179 = arith.constant 5 : i32
    %swap3A_180 = arith.index_cast %swap3A_179 : i32 to index
    %swap3A_181 = arith.constant 64 : index
    %swap3A_182 = tpu.vector_load %arg7[%swap3A_180, %swap3A_181] {strides = array<i32>} : memref<8x128xf32, #tpu.memory_space<vmem>>, vector<16xf32>,
    tpu.vector_store %arg7[%swap3A_180, %swap3A_181], %broadcast_in_dim3A_3 {strides = array<i32>} : memref<8x128xf32, #tpu.memory_space<vmem>>, vector<16xf32>,
    %swap3A_183 = arith.constant 5 : i32
    %swap3A_184 = arith.index_cast %swap3A_183 : i32 to index
    %swap3A_185 = arith.constant 80 : index
    %swap3A_186 = tpu.vector_load %arg7[%swap3A_184, %swap3A_185] {strides = array<i32>} : memref<8x128xf32, #tpu.memory_space<vmem>>, vector<16xf32>,
    tpu.vector_store %arg7[%swap3A_184, %swap3A_185], %broadcast_in_dim3A_3 {strides = array<i32>} : memref<8x128xf32, #tpu.memory_space<vmem>>, vector<16xf32>,
    %swap3A_187 = arith.constant 5 : i32
    %swap3A_188 = arith.index_cast %swap3A_187 : i32 to index
    %swap3A_189 = arith.constant 96 : index
    %swap3A_190 = tpu.vector_load %arg7[%swap3A_188, %swap3A_189] {strides = array<i32>} : memref<8x128xf32, #tpu.memory_space<vmem>>, vector<16xf32>,
    tpu.vector_store %arg7[%swap3A_188, %swap3A_189], %broadcast_in_dim3A_3 {strides = array<i32>} : memref<8x128xf32, #tpu.memory_space<vmem>>, vector<16xf32>,
    %swap3A_191 = arith.constant 5 : i32
    %swap3A_192 = arith.index_cast %swap3A_191 : i32 to index
    %swap3A_193 = arith.constant 112 : index
    %swap3A_194 = tpu.vector_load %arg7[%swap3A_192, %swap3A_193] {strides = array<i32>} : memref<8x128xf32, #tpu.memory_space<vmem>>, vector<16xf32>,
    tpu.vector_store %arg7[%swap3A_192, %swap3A_193], %broadcast_in_dim3A_3 {strides = array<i32>} : memref<8x128xf32, #tpu.memory_space<vmem>>, vector<16xf32>,
    %swap3A_195 = arith.constant 6 : i32
    %swap3A_196 = arith.index_cast %swap3A_195 : i32 to index
    %swap3A_197 = arith.constant 0 : index
    %swap3A_198 = tpu.vector_load %arg7[%swap3A_196, %swap3A_197] {strides = array<i32>} : memref<8x128xf32, #tpu.memory_space<vmem>>, vector<16xf32>,
    tpu.vector_store %arg7[%swap3A_196, %swap3A_197], %broadcast_in_dim3A_3 {strides = array<i32>} : memref<8x128xf32, #tpu.memory_space<vmem>>, vector<16xf32>,
    %swap3A_199 = arith.constant 6 : i32
    %swap3A_200 = arith.index_cast %swap3A_199 : i32 to index
    %swap3A_201 = arith.constant 16 : index
    %swap3A_202 = tpu.vector_load %arg7[%swap3A_200, %swap3A_201] {strides = array<i32>} : memref<8x128xf32, #tpu.memory_space<vmem>>, vector<16xf32>,
    tpu.vector_store %arg7[%swap3A_200, %swap3A_201], %broadcast_in_dim3A_3 {strides = array<i32>} : memref<8x128xf32, #tpu.memory_space<vmem>>, vector<16xf32>,
    %swap3A_203 = arith.constant 6 : i32
    %swap3A_204 = arith.index_cast %swap3A_203 : i32 to index
    %swap3A_205 = arith.constant 32 : index
    %swap3A_206 = tpu.vector_load %arg7[%swap3A_204, %swap3A_205] {strides = array<i32>} : memref<8x128xf32, #tpu.memory_space<vmem>>, vector<16xf32>,
    tpu.vector_store %arg7[%swap3A_204, %swap3A_205], %broadcast_in_dim3A_3 {strides = array<i32>} : memref<8x128xf32, #tpu.memory_space<vmem>>, vector<16xf32>,
    %swap3A_207 = arith.constant 6 : i32
    %swap3A_208 = arith.index_cast %swap3A_207 : i32 to index
    %swap3A_209 = arith.constant 48 : index
    %swap3A_210 = tpu.vector_load %arg7[%swap3A_208, %swap3A_209] {strides = array<i32>} : memref<8x128xf32, #tpu.memory_space<vmem>>, vector<16xf32>,
    tpu.vector_store %arg7[%swap3A_208, %swap3A_209], %broadcast_in_dim3A_3 {strides = array<i32>} : memref<8x128xf32, #tpu.memory_space<vmem>>, vector<16xf32>,
    %swap3A_211 = arith.constant 6 : i32
    %swap3A_212 = arith.index_cast %swap3A_211 : i32 to index
    %swap3A_213 = arith.constant 64 : index
    %swap3A_214 = tpu.vector_load %arg7[%swap3A_212, %swap3A_213] {strides = array<i32>} : memref<8x128xf32, #tpu.memory_space<vmem>>, vector<16xf32>,
    tpu.vector_store %arg7[%swap3A_212, %swap3A_213], %broadcast_in_dim3A_3 {strides = array<i32>} : memref<8x128xf32, #tpu.memory_space<vmem>>, vector<16xf32>,
    %swap3A_215 = arith.constant 6 : i32
    %swap3A_216 = arith.index_cast %swap3A_215 : i32 to index
    %swap3A_217 = arith.constant 80 : index
    %swap3A_218 = tpu.vector_load %arg7[%swap3A_216, %swap3A_217] {strides = array<i32>} : memref<8x128xf32, #tpu.memory_space<vmem>>, vector<16xf32>,
    tpu.vector_store %arg7[%swap3A_216, %swap3A_217], %broadcast_in_dim3A_3 {strides = array<i32>} : memref<8x128xf32, #tpu.memory_space<vmem>>, vector<16xf32>,
    %swap3A_219 = arith.constant 6 : i32
    %swap3A_220 = arith.index_cast %swap3A_219 : i32 to index
    %swap3A_221 = arith.constant 96 : index
    %swap3A_222 = tpu.vector_load %arg7[%swap3A_220, %swap3A_221] {strides = array<i32>} : memref<8x128xf32, #tpu.memory_space<vmem>>, vector<16xf32>,
    tpu.vector_store %arg7[%swap3A_220, %swap3A_221], %broadcast_in_dim3A_3 {strides = array<i32>} : memref<8x128xf32, #tpu.memory_space<vmem>>, vector<16xf32>,
    %swap3A_223 = arith.constant 6 : i32
    %swap3A_224 = arith.index_cast %swap3A_223 : i32 to index
    %swap3A_225 = arith.constant 112 : index
    %swap3A_226 = tpu.vector_load %arg7[%swap3A_224, %swap3A_225] {strides = array<i32>} : memref<8x128xf32, #tpu.memory_space<vmem>>, vector<16xf32>,
    tpu.vector_store %arg7[%swap3A_224, %swap3A_225], %broadcast_in_dim3A_3 {strides = array<i32>} : memref<8x128xf32, #tpu.memory_space<vmem>>, vector<16xf32>,
    %swap3A_227 = arith.constant 7 : i32
    %swap3A_228 = arith.index_cast %swap3A_227 : i32 to index
    %swap3A_229 = arith.constant 0 : index
    %swap3A_230 = tpu.vector_load %arg7[%swap3A_228, %swap3A_229] {strides = array<i32>} : memref<8x128xf32, #tpu.memory_space<vmem>>, vector<16xf32>,
    tpu.vector_store %arg7[%swap3A_228, %swap3A_229], %broadcast_in_dim3A_3 {strides = array<i32>} : memref<8x128xf32, #tpu.memory_space<vmem>>, vector<16xf32>,
    %swap3A_231 = arith.constant 7 : i32
    %swap3A_232 = arith.index_cast %swap3A_231 : i32 to index
    %swap3A_233 = arith.constant 16 : index
    %swap3A_234 = tpu.vector_load %arg7[%swap3A_232, %swap3A_233] {strides = array<i32>} : memref<8x128xf32, #tpu.memory_space<vmem>>, vector<16xf32>,
    tpu.vector_store %arg7[%swap3A_232, %swap3A_233], %broadcast_in_dim3A_3 {strides = array<i32>} : memref<8x128xf32, #tpu.memory_space<vmem>>, vector<16xf32>,
    %swap3A_235 = arith.constant 7 : i32
    %swap3A_236 = arith.index_cast %swap3A_235 : i32 to index
    %swap3A_237 = arith.constant 32 : index
    %swap3A_238 = tpu.vector_load %arg7[%swap3A_236, %swap3A_237] {strides = array<i32>} : memref<8x128xf32, #tpu.memory_space<vmem>>, vector<16xf32>,
    tpu.vector_store %arg7[%swap3A_236, %swap3A_237], %broadcast_in_dim3A_3 {strides = array<i32>} : memref<8x128xf32, #tpu.memory_space<vmem>>, vector<16xf32>,
    %swap3A_239 = arith.constant 7 : i32
    %swap3A_240 = arith.index_cast %swap3A_239 : i32 to index
    %swap3A_241 = arith.constant 48 : index
    %swap3A_242 = tpu.vector_load %arg7[%swap3A_240, %swap3A_241] {strides = array<i32>} : memref<8x128xf32, #tpu.memory_space<vmem>>, vector<16xf32>,
    tpu.vector_store %arg7[%swap3A_240, %swap3A_241], %broadcast_in_dim3A_3 {strides = array<i32>} : memref<8x128xf32, #tpu.memory_space<vmem>>, vector<16xf32>,
    %swap3A_243 = arith.constant 7 : i32
    %swap3A_244 = arith.index_cast %swap3A_243 : i32 to index
    %swap3A_245 = arith.constant 64 : index
    %swap3A_246 = tpu.vector_load %arg7[%swap3A_244, %swap3A_245] {strides = array<i32>} : memref<8x128xf32, #tpu.memory_space<vmem>>, vector<16xf32>,
    tpu.vector_store %arg7[%swap3A_244, %swap3A_245], %broadcast_in_dim3A_3 {strides = array<i32>} : memref<8x128xf32, #tpu.memory_space<vmem>>, vector<16xf32>,
    %swap3A_247 = arith.constant 7 : i32
    %swap3A_248 = arith.index_cast %swap3A_247 : i32 to index
    %swap3A_249 = arith.constant 80 : index
    %swap3A_250 = tpu.vector_load %arg7[%swap3A_248, %swap3A_249] {strides = array<i32>} : memref<8x128xf32, #tpu.memory_space<vmem>>, vector<16xf32>,
    tpu.vector_store %arg7[%swap3A_248, %swap3A_249], %broadcast_in_dim3A_3 {strides = array<i32>} : memref<8x128xf32, #tpu.memory_space<vmem>>, vector<16xf32>,
    %swap3A_251 = arith.constant 7 : i32
    %swap3A_252 = arith.index_cast %swap3A_251 : i32 to index
    %swap3A_253 = arith.constant 96 : index
    %swap3A_254 = tpu.vector_load %arg7[%swap3A_252, %swap3A_253] {strides = array<i32>} : memref<8x128xf32, #tpu.memory_space<vmem>>, vector<16xf32>,
    tpu.vector_store %arg7[%swap3A_252, %swap3A_253], %broadcast_in_dim3A_3 {strides = array<i32>} : memref<8x128xf32, #tpu.memory_space<vmem>>, vector<16xf32>,
    %swap3A_255 = arith.constant 7 : i32
    %swap3A_256 = arith.index_cast %swap3A_255 : i32 to index
    %swap3A_257 = arith.constant 112 : index
    %swap3A_258 = tpu.vector_load %arg7[%swap3A_256, %swap3A_257] {strides = array<i32>} : memref<8x128xf32, #tpu.memory_space<vmem>>, vector<16xf32>,
    tpu.vector_store %arg7[%swap3A_256, %swap3A_257], %broadcast_in_dim3A_3 {strides = array<i32>} : memref<8x128xf32, #tpu.memory_space<vmem>>, vector<16xf32>,
    %dma_start3A = arith.constant 0 : i32
    %dma_start3A_259 = arith.constant 0 : i32
    %dma_start3A_260 = arith.constant 0 : i32
    %dma_start3A_261 = arith.constant 0 : i32
    %dma_start3A_262 = arith.constant 0 : i32
    %dma_start3A_263 = tpu.memref_slice %arg5[%dma_start3A_260, %dma_start3A_261, %dma_start3A_262] : memref<2x30x512xf32, #tpu.memory_space<vmem>> -> memref<1x30x512xf32, #tpu.memory_space<vmem>>
    %dma_start3A_264 = tpu.memref_squeeze %dma_start3A_263 : memref<1x30x512xf32, #tpu.memory_space<vmem>> -> memref<30x512xf32, #tpu.memory_space<vmem>>
    %dma_start3A_265 = arith.constant 0 : i32
    %dma_start3A_266 = tpu.memref_slice %arg2[%dma_start3A, %dma_start3A_259, %dma_start3A_265, %mul3A_2] : memref<7x7x30x16384xf32, #tpu.memory_space<hbm>> -> memref<1x1x30x512xf32, #tpu.memory_space<hbm>>
    %dma_start3A_267 = tpu.memref_squeeze %dma_start3A_266 : memref<1x1x30x512xf32, #tpu.memory_space<hbm>> -> memref<30x512xf32, #tpu.memory_space<hbm>>
    %dma_start3A_268 = arith.constant 0 : i32
    %dma_start3A_269 = arith.constant 0 : i32
    %dma_start3A_270 = tpu.memref_slice %arg5[%dma_start3A_260, %dma_start3A_268, %dma_start3A_269] : memref<2x30x512xf32, #tpu.memory_space<vmem>> -> memref<1x30x512xf32, #tpu.memory_space<vmem>>
    %dma_start3A_271 = tpu.memref_squeeze %dma_start3A_270 : memref<1x30x512xf32, #tpu.memory_space<vmem>> -> memref<30x512xf32, #tpu.memory_space<vmem>>
    %dma_start3A_272 = arith.constant 0 : i32
    %dma_start3A_273 = tpu.memref_slice %arg2[%dma_start3A, %dma_start3A_259, %dma_start3A_272, %mul3A_2] : memref<7x7x30x16384xf32, #tpu.memory_space<hbm>> -> memref<1x1x30x512xf32, #tpu.memory_space<hbm>>
    %dma_start3A_274 = tpu.memref_squeeze %dma_start3A_273 : memref<1x1x30x512xf32, #tpu.memory_space<hbm>> -> memref<30x512xf32, #tpu.memory_space<hbm>>
    tpu.enqueue_dma source(%dma_start3A_274 : memref<30x512xf32, #tpu.memory_space<hbm>>) target(%dma_start3A_271 : memref<30x512xf32, #tpu.memory_space<vmem>>) target_semaphore(%arg8 : memref<!tpu.dma_semaphore, #tpu.memory_space<semaphore_mem>>)
    %dma_start3A_275 = arith.constant 0 : i32
    %dma_start3A_276 = arith.constant 0 : i32
    %dma_start3A_277 = arith.constant 0 : i32
    %dma_start3A_278 = arith.constant 0 : i32
    %dma_start3A_279 = arith.constant 0 : i32
    %dma_start3A_280 = tpu.memref_slice %arg6[%dma_start3A_277, %dma_start3A_278, %dma_start3A_279] : memref<2x30x512xf32, #tpu.memory_space<vmem>> -> memref<1x30x512xf32, #tpu.memory_space<vmem>>
    %dma_start3A_281 = tpu.memref_squeeze %dma_start3A_280 : memref<1x30x512xf32, #tpu.memory_space<vmem>> -> memref<30x512xf32, #tpu.memory_space<vmem>>
    %dma_start3A_282 = arith.constant 0 : i32
    %dma_start3A_283 = tpu.memref_slice %arg3[%dma_start3A_275, %dma_start3A_276, %dma_start3A_282, %mul3A_2] : memref<7x7x30x16384xf32, #tpu.memory_space<hbm>> -> memref<1x1x30x512xf32, #tpu.memory_space<hbm>>
    %dma_start3A_284 = tpu.memref_squeeze %dma_start3A_283 : memref<1x1x30x512xf32, #tpu.memory_space<hbm>> -> memref<30x512xf32, #tpu.memory_space<hbm>>
    %dma_start3A_285 = arith.constant 0 : i32
    %dma_start3A_286 = arith.constant 0 : i32
    %dma_start3A_287 = tpu.memref_slice %arg6[%dma_start3A_277, %dma_start3A_285, %dma_start3A_286] : memref<2x30x512xf32, #tpu.memory_space<vmem>> -> memref<1x30x512xf32, #tpu.memory_space<vmem>>
    %dma_start3A_288 = tpu.memref_squeeze %dma_start3A_287 : memref<1x30x512xf32, #tpu.memory_space<vmem>> -> memref<30x512xf32, #tpu.memory_space<vmem>>
    %dma_start3A_289 = arith.constant 0 : i32
    %dma_start3A_290 = tpu.memref_slice %arg3[%dma_start3A_275, %dma_start3A_276, %dma_start3A_289, %mul3A_2] : memref<7x7x30x16384xf32, #tpu.memory_space<hbm>> -> memref<1x1x30x512xf32, #tpu.memory_space<hbm>>
    %dma_start3A_291 = tpu.memref_squeeze %dma_start3A_290 : memref<1x1x30x512xf32, #tpu.memory_space<hbm>> -> memref<30x512xf32, #tpu.memory_space<hbm>>
    tpu.enqueue_dma source(%dma_start3A_291 : memref<30x512xf32, #tpu.memory_space<hbm>>) target(%dma_start3A_288 : memref<30x512xf32, #tpu.memory_space<vmem>>) target_semaphore(%arg9 : memref<!tpu.dma_semaphore, #tpu.memory_space<semaphore_mem>>)
    %scan3A = arith.constant 0 : i32
    %scan3A_292 = arith.constant 0 : i32
    %scan3A_293 = arith.constant 49 : i32
    %scan3A_294 = arith.addi %scan3A_292, %scan3A_293 : i32
    %scan3A_295 = arith.constant 1 : i32
    scf.for %scan3A_297 = %scan3A_292 to %scan3A_294 step %scan3A_295  : i32 {
      %rem3A = arith.constant 2 : i32
      %rem3A_298 = arith.remsi %scan3A_297, %rem3A : i32
      %add3A_299 = arith.constant 1 : i32
      %add3A_300 = arith.addi %scan3A_297, %add3A_299 : i32
      %lt3A = arith.constant 49 : i32
      %lt3A_301 = arith.cmpi slt, %add3A_300, %lt3A : i32
      %convert_element_type3A = arith.extui %lt3A_301 : i1 to i32
      %cond3A = arith.constant 0 : i32
      %cond3A_302 = arith.cmpi ne, %convert_element_type3A, %cond3A : i32
      scf.if %cond3A_302 {
        %add3A_365 = arith.constant 1 : i32
        %add3A_366 = arith.addi %scan3A_297, %add3A_365 : i32
        %sub3A_367 = arith.constant 1 : i32
        %sub3A_368 = arith.subi %sub3A_367, %rem3A_298 : i32
        %jit3A_369 = arith.constant 7 : i32
        %div3A_370 = arith.divsi %add3A_366, %jit3A_369 : i32
        %sign3A_371 = arith.constant 0 : i32
        %sign3A_372 = arith.cmpi sgt, %add3A_366, %sign3A_371 : i32
        %sign3A_373 = arith.extui %sign3A_372 : i1 to i32
        %sign3A_374 = arith.constant 0 : i32
        %sign3A_375 = arith.cmpi slt, %add3A_366, %sign3A_374 : i32
        %sign3A_376 = arith.extui %sign3A_375 : i1 to i32
        %sign3A_377 = arith.subi %sign3A_373, %sign3A_376 : i32
        %sign3A_378 = arith.constant 0 : i32
        %sign3A_379 = arith.cmpi sgt, %jit3A_369, %sign3A_378 : i32
        %sign3A_380 = arith.extui %sign3A_379 : i1 to i32
        %sign3A_381 = arith.constant 0 : i32
        %sign3A_382 = arith.cmpi slt, %jit3A_369, %sign3A_381 : i32
        %sign3A_383 = arith.extui %sign3A_382 : i1 to i32
        %sign3A_384 = arith.subi %sign3A_380, %sign3A_383 : i32
        %ne3A_385 = arith.cmpi ne, %sign3A_377, %sign3A_384 : i32
        %rem3A_386 = arith.remsi %add3A_366, %jit3A_369 : i32
        %ne3A_387 = arith.constant 0 : i32
        %ne3A_388 = arith.cmpi ne, %rem3A_386, %ne3A_387 : i32
        %and3A_389 = arith.andi %ne3A_385, %ne3A_388 : i1
        %sub3A_390 = arith.constant 1 : i32
        %sub3A_391 = arith.subi %div3A_370, %sub3A_390 : i32
        %select_n3A_392 = arith.select %and3A_389, %sub3A_391, %div3A_370 : i32
        %mul3A_393 = arith.constant 7 : i32
        %mul3A_394 = arith.muli %select_n3A_392, %mul3A_393 : i32
        %sub3A_395 = arith.subi %add3A_366, %mul3A_394 : i32
        %dma_start3A_396 = arith.constant 0 : i32
        %dma_start3A_397 = arith.constant 0 : i32
        %dma_start3A_398 = tpu.memref_slice %arg5[%sub3A_368, %dma_start3A_396, %dma_start3A_397] : memref<2x30x512xf32, #tpu.memory_space<vmem>> -> memref<1x30x512xf32, #tpu.memory_space<vmem>>
        %dma_start3A_399 = tpu.memref_squeeze %dma_start3A_398 : memref<1x30x512xf32, #tpu.memory_space<vmem>> -> memref<30x512xf32, #tpu.memory_space<vmem>>
        %dma_start3A_400 = arith.constant 0 : i32
        %dma_start3A_401 = tpu.memref_slice %arg2[%select_n3A_392, %sub3A_395, %dma_start3A_400, %mul3A_2] : memref<7x7x30x16384xf32, #tpu.memory_space<hbm>> -> memref<1x1x30x512xf32, #tpu.memory_space<hbm>>
        %dma_start3A_402 = tpu.memref_squeeze %dma_start3A_401 : memref<1x1x30x512xf32, #tpu.memory_space<hbm>> -> memref<30x512xf32, #tpu.memory_space<hbm>>
        %dma_start3A_403 = arith.constant 0 : i32
        %dma_start3A_404 = arith.constant 0 : i32
        %dma_start3A_405 = tpu.memref_slice %arg5[%sub3A_368, %dma_start3A_403, %dma_start3A_404] : memref<2x30x512xf32, #tpu.memory_space<vmem>> -> memref<1x30x512xf32, #tpu.memory_space<vmem>>
        %dma_start3A_406 = tpu.memref_squeeze %dma_start3A_405 : memref<1x30x512xf32, #tpu.memory_space<vmem>> -> memref<30x512xf32, #tpu.memory_space<vmem>>
        %dma_start3A_407 = arith.constant 0 : i32
        %dma_start3A_408 = tpu.memref_slice %arg2[%select_n3A_392, %sub3A_395, %dma_start3A_407, %mul3A_2] : memref<7x7x30x16384xf32, #tpu.memory_space<hbm>> -> memref<1x1x30x512xf32, #tpu.memory_space<hbm>>
        %dma_start3A_409 = tpu.memref_squeeze %dma_start3A_408 : memref<1x1x30x512xf32, #tpu.memory_space<hbm>> -> memref<30x512xf32, #tpu.memory_space<hbm>>
        tpu.enqueue_dma source(%dma_start3A_409 : memref<30x512xf32, #tpu.memory_space<hbm>>) target(%dma_start3A_406 : memref<30x512xf32, #tpu.memory_space<vmem>>) target_semaphore(%arg8 : memref<!tpu.dma_semaphore, #tpu.memory_space<semaphore_mem>>)
        %dma_start3A_410 = arith.constant 0 : i32
        %dma_start3A_411 = arith.constant 0 : i32
        %dma_start3A_412 = tpu.memref_slice %arg6[%sub3A_368, %dma_start3A_410, %dma_start3A_411] : memref<2x30x512xf32, #tpu.memory_space<vmem>> -> memref<1x30x512xf32, #tpu.memory_space<vmem>>
        %dma_start3A_413 = tpu.memref_squeeze %dma_start3A_412 : memref<1x30x512xf32, #tpu.memory_space<vmem>> -> memref<30x512xf32, #tpu.memory_space<vmem>>
        %dma_start3A_414 = arith.constant 0 : i32
        %dma_start3A_415 = tpu.memref_slice %arg3[%select_n3A_392, %sub3A_395, %dma_start3A_414, %mul3A_2] : memref<7x7x30x16384xf32, #tpu.memory_space<hbm>> -> memref<1x1x30x512xf32, #tpu.memory_space<hbm>>
        %dma_start3A_416 = tpu.memref_squeeze %dma_start3A_415 : memref<1x1x30x512xf32, #tpu.memory_space<hbm>> -> memref<30x512xf32, #tpu.memory_space<hbm>>
        %dma_start3A_417 = arith.constant 0 : i32
        %dma_start3A_418 = arith.constant 0 : i32
        %dma_start3A_419 = tpu.memref_slice %arg6[%sub3A_368, %dma_start3A_417, %dma_start3A_418] : memref<2x30x512xf32, #tpu.memory_space<vmem>> -> memref<1x30x512xf32, #tpu.memory_space<vmem>>
        %dma_start3A_420 = tpu.memref_squeeze %dma_start3A_419 : memref<1x30x512xf32, #tpu.memory_space<vmem>> -> memref<30x512xf32, #tpu.memory_space<vmem>>
        %dma_start3A_421 = arith.constant 0 : i32
        %dma_start3A_422 = tpu.memref_slice %arg3[%select_n3A_392, %sub3A_395, %dma_start3A_421, %mul3A_2] : memref<7x7x30x16384xf32, #tpu.memory_space<hbm>> -> memref<1x1x30x512xf32, #tpu.memory_space<hbm>>
        %dma_start3A_423 = tpu.memref_squeeze %dma_start3A_422 : memref<1x1x30x512xf32, #tpu.memory_space<hbm>> -> memref<30x512xf32, #tpu.memory_space<hbm>>
        tpu.enqueue_dma source(%dma_start3A_423 : memref<30x512xf32, #tpu.memory_space<hbm>>) target(%dma_start3A_420 : memref<30x512xf32, #tpu.memory_space<vmem>>) target_semaphore(%arg9 : memref<!tpu.dma_semaphore, #tpu.memory_space<semaphore_mem>>)
      } else {
      }
      %dma_wait3A = arith.constant 0 : i32
      %dma_wait3A_303 = arith.constant 0 : i32
      %dma_wait3A_304 = arith.constant 0 : i32
      %dma_wait3A_305 = arith.constant 0 : i32
      %dma_wait3A_306 = arith.constant 0 : i32
      %dma_wait3A_307 = tpu.memref_slice %arg5[%dma_wait3A_304, %dma_wait3A_305, %dma_wait3A_306] : memref<2x30x512xf32, #tpu.memory_space<vmem>> -> memref<1x30x512xf32, #tpu.memory_space<vmem>>
      %dma_wait3A_308 = tpu.memref_squeeze %dma_wait3A_307 : memref<1x30x512xf32, #tpu.memory_space<vmem>> -> memref<30x512xf32, #tpu.memory_space<vmem>>
      %dma_wait3A_309 = arith.constant 0 : i32
      %dma_wait3A_310 = tpu.memref_slice %arg2[%dma_wait3A, %dma_wait3A_303, %dma_wait3A_309, %mul3A_2] : memref<7x7x30x16384xf32, #tpu.memory_space<hbm>> -> memref<1x1x30x512xf32, #tpu.memory_space<hbm>>
      %dma_wait3A_311 = tpu.memref_squeeze %dma_wait3A_310 : memref<1x1x30x512xf32, #tpu.memory_space<hbm>> -> memref<30x512xf32, #tpu.memory_space<hbm>>
      %dma_wait3A_312 = arith.constant 0 : i32
      %dma_wait3A_313 = arith.constant 0 : i32
      %dma_wait3A_314 = tpu.memref_slice %arg5[%dma_wait3A_304, %dma_wait3A_312, %dma_wait3A_313] : memref<2x30x512xf32, #tpu.memory_space<vmem>> -> memref<1x30x512xf32, #tpu.memory_space<vmem>>
      %dma_wait3A_315 = tpu.memref_squeeze %dma_wait3A_314 : memref<1x30x512xf32, #tpu.memory_space<vmem>> -> memref<30x512xf32, #tpu.memory_space<vmem>>
      %dma_wait3A_316 = arith.constant 0 : i32
      %dma_wait3A_317 = tpu.memref_slice %arg2[%dma_wait3A, %dma_wait3A_303, %dma_wait3A_316, %mul3A_2] : memref<7x7x30x16384xf32, #tpu.memory_space<hbm>> -> memref<1x1x30x512xf32, #tpu.memory_space<hbm>>
      %dma_wait3A_318 = tpu.memref_squeeze %dma_wait3A_317 : memref<1x1x30x512xf32, #tpu.memory_space<hbm>> -> memref<30x512xf32, #tpu.memory_space<hbm>>
      tpu.wait_dma2 semaphore(%arg8 : memref<!tpu.dma_semaphore, #tpu.memory_space<semaphore_mem>>) src(%dma_wait3A_318 : memref<30x512xf32, #tpu.memory_space<hbm>>) dst(%dma_wait3A_315 : memref<30x512xf32, #tpu.memory_space<vmem>>)
      %dma_wait3A_319 = arith.constant 0 : i32
      %dma_wait3A_320 = arith.constant 0 : i32
      %dma_wait3A_321 = arith.constant 0 : i32
      %dma_wait3A_322 = arith.constant 0 : i32
      %dma_wait3A_323 = arith.constant 0 : i32
      %dma_wait3A_324 = tpu.memref_slice %arg6[%dma_wait3A_321, %dma_wait3A_322, %dma_wait3A_323] : memref<2x30x512xf32, #tpu.memory_space<vmem>> -> memref<1x30x512xf32, #tpu.memory_space<vmem>>
      %dma_wait3A_325 = tpu.memref_squeeze %dma_wait3A_324 : memref<1x30x512xf32, #tpu.memory_space<vmem>> -> memref<30x512xf32, #tpu.memory_space<vmem>>
      %dma_wait3A_326 = arith.constant 0 : i32
      %dma_wait3A_327 = tpu.memref_slice %arg3[%dma_wait3A_319, %dma_wait3A_320, %dma_wait3A_326, %mul3A_2] : memref<7x7x30x16384xf32, #tpu.memory_space<hbm>> -> memref<1x1x30x512xf32, #tpu.memory_space<hbm>>
      %dma_wait3A_328 = tpu.memref_squeeze %dma_wait3A_327 : memref<1x1x30x512xf32, #tpu.memory_space<hbm>> -> memref<30x512xf32, #tpu.memory_space<hbm>>
      %dma_wait3A_329 = arith.constant 0 : i32
      %dma_wait3A_330 = arith.constant 0 : i32
      %dma_wait3A_331 = tpu.memref_slice %arg6[%dma_wait3A_321, %dma_wait3A_329, %dma_wait3A_330] : memref<2x30x512xf32, #tpu.memory_space<vmem>> -> memref<1x30x512xf32, #tpu.memory_space<vmem>>
      %dma_wait3A_332 = tpu.memref_squeeze %dma_wait3A_331 : memref<1x30x512xf32, #tpu.memory_space<vmem>> -> memref<30x512xf32, #tpu.memory_space<vmem>>
      %dma_wait3A_333 = arith.constant 0 : i32
      %dma_wait3A_334 = tpu.memref_slice %arg3[%dma_wait3A_319, %dma_wait3A_320, %dma_wait3A_333, %mul3A_2] : memref<7x7x30x16384xf32, #tpu.memory_space<hbm>> -> memref<1x1x30x512xf32, #tpu.memory_space<hbm>>
      %dma_wait3A_335 = tpu.memref_squeeze %dma_wait3A_334 : memref<1x1x30x512xf32, #tpu.memory_space<hbm>> -> memref<30x512xf32, #tpu.memory_space<hbm>>
      tpu.wait_dma2 semaphore(%arg9 : memref<!tpu.dma_semaphore, #tpu.memory_space<semaphore_mem>>) src(%dma_wait3A_335 : memref<30x512xf32, #tpu.memory_space<hbm>>) dst(%dma_wait3A_332 : memref<30x512xf32, #tpu.memory_space<vmem>>)
      %jit3A = arith.constant 7 : i32
      %div3A = arith.divsi %scan3A_297, %jit3A : i32
      %sign3A = arith.constant 0 : i32
      %sign3A_336 = arith.cmpi sgt, %scan3A_297, %sign3A : i32
      %sign3A_337 = arith.extui %sign3A_336 : i1 to i32
      %sign3A_338 = arith.constant 0 : i32
      %sign3A_339 = arith.cmpi slt, %scan3A_297, %sign3A_338 : i32
      %sign3A_340 = arith.extui %sign3A_339 : i1 to i32
      %sign3A_341 = arith.subi %sign3A_337, %sign3A_340 : i32
      %sign3A_342 = arith.constant 0 : i32
      %sign3A_343 = arith.cmpi sgt, %jit3A, %sign3A_342 : i32
      %sign3A_344 = arith.extui %sign3A_343 : i1 to i32
      %sign3A_345 = arith.constant 0 : i32
      %sign3A_346 = arith.cmpi slt, %jit3A, %sign3A_345 : i32
      %sign3A_347 = arith.extui %sign3A_346 : i1 to i32
      %sign3A_348 = arith.subi %sign3A_344, %sign3A_347 : i32
      %ne3A = arith.cmpi ne, %sign3A_341, %sign3A_348 : i32
      %rem3A_349 = arith.remsi %scan3A_297, %jit3A : i32
      %ne3A_350 = arith.constant 0 : i32
      %ne3A_351 = arith.cmpi ne, %rem3A_349, %ne3A_350 : i32
      %and3A = arith.andi %ne3A, %ne3A_351 : i1
      %sub3A = arith.constant 1 : i32
      %sub3A_352 = arith.subi %div3A, %sub3A : i32
      %select_n3A = arith.select %and3A, %sub3A_352, %div3A : i32
      %mul3A_353 = arith.constant 7 : i32
      %mul3A_354 = arith.muli %select_n3A, %mul3A_353 : i32
      %sub3A_355 = arith.subi %scan3A_297, %mul3A_354 : i32
      %convert_element_type3A_356 = arith.sitofp %sub3A_355 : i32 to f32
      %convert_element_type3A_357 = arith.sitofp %select_n3A : i32 to f32
      %scan3A_358 = arith.constant 0 : i32
      %scan3A_359 = arith.constant 0 : i32
      %scan3A_360 = arith.constant 32 : i32
      %scan3A_361 = arith.addi %scan3A_359, %scan3A_360 : i32
      %scan3A_362 = arith.constant 1 : i32
      %scan3A_363 = scf.for %scan3A_365 = %scan3A_359 to %scan3A_361 step %scan3A_362 iter_args(%scan3A_366 = %scan3A_358) -> (i32)  : i32 {
        %mul3A_367 = arith.constant 16 : i32
        %mul3A_368 = arith.muli %scan3A_365, %mul3A_367 : i32
        %get3A = arith.constant 0 : i32
        %get3A_369 = arith.index_cast %rem3A_298 : i32 to index
        %get3A_370 = arith.index_cast %get3A : i32 to index
        %get3A_371 = arith.index_cast %mul3A_368 : i32 to index
        %get3A_372 = tpu.vector_load %arg5[%get3A_369, %get3A_370, %get3A_371] {strides = array<i32>} : memref<2x30x512xf32, #tpu.memory_space<vmem>>, vector<16xf32>,
        %get3A_373 = arith.constant 0 : i32
        %get3A_374 = arith.index_cast %rem3A_298 : i32 to index
        %get3A_375 = arith.index_cast %get3A_373 : i32 to index
        %get3A_376 = arith.index_cast %mul3A_368 : i32 to index
        %get3A_377 = tpu.vector_load %arg6[%get3A_374, %get3A_375, %get3A_376] {strides = array<i32>} : memref<2x30x512xf32, #tpu.memory_space<vmem>>, vector<16xf32>,
        %get3A_378 = arith.constant 1 : i32
        %get3A_379 = arith.index_cast %rem3A_298 : i32 to index
        %get3A_380 = arith.index_cast %get3A_378 : i32 to index
        %get3A_381 = arith.index_cast %mul3A_368 : i32 to index
        %get3A_382 = tpu.vector_load %arg5[%get3A_379, %get3A_380, %get3A_381] {strides = array<i32>} : memref<2x30x512xf32, #tpu.memory_space<vmem>>, vector<16xf32>,
        %get3A_383 = arith.constant 1 : i32
        %get3A_384 = arith.index_cast %rem3A_298 : i32 to index
        %get3A_385 = arith.index_cast %get3A_383 : i32 to index
        %get3A_386 = arith.index_cast %mul3A_368 : i32 to index
        %get3A_387 = tpu.vector_load %arg6[%get3A_384, %get3A_385, %get3A_386] {strides = array<i32>} : memref<2x30x512xf32, #tpu.memory_space<vmem>>, vector<16xf32>,
        %get3A_388 = arith.constant 2 : i32
        %get3A_389 = arith.index_cast %rem3A_298 : i32 to index
        %get3A_390 = arith.index_cast %get3A_388 : i32 to index
        %get3A_391 = arith.index_cast %mul3A_368 : i32 to index
        %get3A_392 = tpu.vector_load %arg5[%get3A_389, %get3A_390, %get3A_391] {strides = array<i32>} : memref<2x30x512xf32, #tpu.memory_space<vmem>>, vector<16xf32>,
        %get3A_393 = arith.constant 2 : i32
        %get3A_394 = arith.index_cast %rem3A_298 : i32 to index
        %get3A_395 = arith.index_cast %get3A_393 : i32 to index
        %get3A_396 = arith.index_cast %mul3A_368 : i32 to index
        %get3A_397 = tpu.vector_load %arg6[%get3A_394, %get3A_395, %get3A_396] {strides = array<i32>} : memref<2x30x512xf32, #tpu.memory_space<vmem>>, vector<16xf32>,
        %get3A_398 = arith.constant 3 : i32
        %get3A_399 = arith.index_cast %rem3A_298 : i32 to index
        %get3A_400 = arith.index_cast %get3A_398 : i32 to index
        %get3A_401 = arith.index_cast %mul3A_368 : i32 to index
        %get3A_402 = tpu.vector_load %arg5[%get3A_399, %get3A_400, %get3A_401] {strides = array<i32>} : memref<2x30x512xf32, #tpu.memory_space<vmem>>, vector<16xf32>,
        %get3A_403 = arith.constant 3 : i32
        %get3A_404 = arith.index_cast %rem3A_298 : i32 to index
        %get3A_405 = arith.index_cast %get3A_403 : i32 to index
        %get3A_406 = arith.index_cast %mul3A_368 : i32 to index
        %get3A_407 = tpu.vector_load %arg6[%get3A_404, %get3A_405, %get3A_406] {strides = array<i32>} : memref<2x30x512xf32, #tpu.memory_space<vmem>>, vector<16xf32>,
        %get3A_408 = arith.constant 4 : i32
        %get3A_409 = arith.index_cast %rem3A_298 : i32 to index
        %get3A_410 = arith.index_cast %get3A_408 : i32 to index
        %get3A_411 = arith.index_cast %mul3A_368 : i32 to index
        %get3A_412 = tpu.vector_load %arg5[%get3A_409, %get3A_410, %get3A_411] {strides = array<i32>} : memref<2x30x512xf32, #tpu.memory_space<vmem>>, vector<16xf32>,
        %get3A_413 = arith.constant 4 : i32
        %get3A_414 = arith.index_cast %rem3A_298 : i32 to index
        %get3A_415 = arith.index_cast %get3A_413 : i32 to index
        %get3A_416 = arith.index_cast %mul3A_368 : i32 to index
        %get3A_417 = tpu.vector_load %arg6[%get3A_414, %get3A_415, %get3A_416] {strides = array<i32>} : memref<2x30x512xf32, #tpu.memory_space<vmem>>, vector<16xf32>,
        %get3A_418 = arith.constant 5 : i32
        %get3A_419 = arith.index_cast %rem3A_298 : i32 to index
        %get3A_420 = arith.index_cast %get3A_418 : i32 to index
        %get3A_421 = arith.index_cast %mul3A_368 : i32 to index
        %get3A_422 = tpu.vector_load %arg5[%get3A_419, %get3A_420, %get3A_421] {strides = array<i32>} : memref<2x30x512xf32, #tpu.memory_space<vmem>>, vector<16xf32>,
        %get3A_423 = arith.constant 5 : i32
        %get3A_424 = arith.index_cast %rem3A_298 : i32 to index
        %get3A_425 = arith.index_cast %get3A_423 : i32 to index
        %get3A_426 = arith.index_cast %mul3A_368 : i32 to index
        %get3A_427 = tpu.vector_load %arg6[%get3A_424, %get3A_425, %get3A_426] {strides = array<i32>} : memref<2x30x512xf32, #tpu.memory_space<vmem>>, vector<16xf32>,
        %get3A_428 = arith.constant 6 : i32
        %get3A_429 = arith.index_cast %rem3A_298 : i32 to index
        %get3A_430 = arith.index_cast %get3A_428 : i32 to index
        %get3A_431 = arith.index_cast %mul3A_368 : i32 to index
        %get3A_432 = tpu.vector_load %arg5[%get3A_429, %get3A_430, %get3A_431] {strides = array<i32>} : memref<2x30x512xf32, #tpu.memory_space<vmem>>, vector<16xf32>,
        %get3A_433 = arith.constant 6 : i32
        %get3A_434 = arith.index_cast %rem3A_298 : i32 to index
        %get3A_435 = arith.index_cast %get3A_433 : i32 to index
        %get3A_436 = arith.index_cast %mul3A_368 : i32 to index
        %get3A_437 = tpu.vector_load %arg6[%get3A_434, %get3A_435, %get3A_436] {strides = array<i32>} : memref<2x30x512xf32, #tpu.memory_space<vmem>>, vector<16xf32>,
        %get3A_438 = arith.constant 7 : i32
        %get3A_439 = arith.index_cast %rem3A_298 : i32 to index
        %get3A_440 = arith.index_cast %get3A_438 : i32 to index
        %get3A_441 = arith.index_cast %mul3A_368 : i32 to index
        %get3A_442 = tpu.vector_load %arg5[%get3A_439, %get3A_440, %get3A_441] {strides = array<i32>} : memref<2x30x512xf32, #tpu.memory_space<vmem>>, vector<16xf32>,
        %get3A_443 = arith.constant 7 : i32
        %get3A_444 = arith.index_cast %rem3A_298 : i32 to index
        %get3A_445 = arith.index_cast %get3A_443 : i32 to index
        %get3A_446 = arith.index_cast %mul3A_368 : i32 to index
        %get3A_447 = tpu.vector_load %arg6[%get3A_444, %get3A_445, %get3A_446] {strides = array<i32>} : memref<2x30x512xf32, #tpu.memory_space<vmem>>, vector<16xf32>,
        %get3A_448 = arith.constant 8 : i32
        %get3A_449 = arith.index_cast %rem3A_298 : i32 to index
        %get3A_450 = arith.index_cast %get3A_448 : i32 to index
        %get3A_451 = arith.index_cast %mul3A_368 : i32 to index
        %get3A_452 = tpu.vector_load %arg5[%get3A_449, %get3A_450, %get3A_451] {strides = array<i32>} : memref<2x30x512xf32, #tpu.memory_space<vmem>>, vector<16xf32>,
        %get3A_453 = arith.constant 8 : i32
        %get3A_454 = arith.index_cast %rem3A_298 : i32 to index
        %get3A_455 = arith.index_cast %get3A_453 : i32 to index
        %get3A_456 = arith.index_cast %mul3A_368 : i32 to index
        %get3A_457 = tpu.vector_load %arg6[%get3A_454, %get3A_455, %get3A_456] {strides = array<i32>} : memref<2x30x512xf32, #tpu.memory_space<vmem>>, vector<16xf32>,
        %get3A_458 = arith.constant 9 : i32
        %get3A_459 = arith.index_cast %rem3A_298 : i32 to index
        %get3A_460 = arith.index_cast %get3A_458 : i32 to index
        %get3A_461 = arith.index_cast %mul3A_368 : i32 to index
        %get3A_462 = tpu.vector_load %arg5[%get3A_459, %get3A_460, %get3A_461] {strides = array<i32>} : memref<2x30x512xf32, #tpu.memory_space<vmem>>, vector<16xf32>,
        %get3A_463 = arith.constant 9 : i32
        %get3A_464 = arith.index_cast %rem3A_298 : i32 to index
        %get3A_465 = arith.index_cast %get3A_463 : i32 to index
        %get3A_466 = arith.index_cast %mul3A_368 : i32 to index
        %get3A_467 = tpu.vector_load %arg6[%get3A_464, %get3A_465, %get3A_466] {strides = array<i32>} : memref<2x30x512xf32, #tpu.memory_space<vmem>>, vector<16xf32>,
        %gt3A = arith.constant 0.000000e+00 : f32
        %gt3A_468 = vector.broadcast %gt3A : f32 to vector<16xf32>
        %gt3A_469 = arith.cmpf ogt, %get3A_467, %gt3A_468 : vector<16xf32>
        %add3A_470 = vector.broadcast %convert_element_type3A_356 : f32 to vector<16xf32>
        %add3A_471 = arith.addf %get3A_377, %add3A_470 : vector<16xf32>
        %mul3A_472 = arith.constant 0.142857149 : f32
        %mul3A_473 = vector.broadcast %mul3A_472 : f32 to vector<16xf32>
        %mul3A_474 = arith.mulf %add3A_471, %mul3A_473 : vector<16xf32>
        %add3A_475 = vector.broadcast %convert_element_type3A_357 : f32 to vector<16xf32>
        %add3A_476 = arith.addf %get3A_387, %add3A_475 : vector<16xf32>
        %mul3A_477 = arith.constant 0.142857149 : f32
        %mul3A_478 = vector.broadcast %mul3A_477 : f32 to vector<16xf32>
        %mul3A_479 = arith.mulf %add3A_476, %mul3A_478 : vector<16xf32>
        %mul3A_480 = arith.constant 5.000000e-01 : f32
        %mul3A_481 = vector.broadcast %mul3A_480 : f32 to vector<16xf32>
        %mul3A_482 = arith.mulf %get3A_397, %mul3A_481 : vector<16xf32>
        %mul3A_483 = arith.constant 5.000000e-01 : f32
        %mul3A_484 = vector.broadcast %mul3A_483 : f32 to vector<16xf32>
        %mul3A_485 = arith.mulf %get3A_407, %mul3A_484 : vector<16xf32>
        %sub3A_486 = arith.subf %mul3A_474, %mul3A_482 : vector<16xf32>
        %sub3A_487 = arith.subf %mul3A_479, %mul3A_485 : vector<16xf32>
        %add3A_488 = arith.addf %mul3A_474, %mul3A_482 : vector<16xf32>
        %add3A_489 = arith.addf %mul3A_479, %mul3A_485 : vector<16xf32>
        %mul3A_490 = arith.mulf %get3A_397, %get3A_407 : vector<16xf32>
        %add3A_491 = vector.broadcast %convert_element_type3A_356 : f32 to vector<16xf32>
        %add3A_492 = arith.addf %get3A_372, %add3A_491 : vector<16xf32>
        %mul3A_493 = arith.constant 0.142857149 : f32
        %mul3A_494 = vector.broadcast %mul3A_493 : f32 to vector<16xf32>
        %mul3A_495 = arith.mulf %add3A_492, %mul3A_494 : vector<16xf32>
        %add3A_496 = vector.broadcast %convert_element_type3A_357 : f32 to vector<16xf32>
        %add3A_497 = arith.addf %get3A_382, %add3A_496 : vector<16xf32>
        %mul3A_498 = arith.constant 0.142857149 : f32
        %mul3A_499 = vector.broadcast %mul3A_498 : f32 to vector<16xf32>
        %mul3A_500 = arith.mulf %add3A_497, %mul3A_499 : vector<16xf32>
        %mul3A_501 = arith.constant 5.000000e-01 : f32
        %mul3A_502 = vector.broadcast %mul3A_501 : f32 to vector<16xf32>
        %mul3A_503 = arith.mulf %get3A_392, %mul3A_502 : vector<16xf32>
        %mul3A_504 = arith.constant 5.000000e-01 : f32
        %mul3A_505 = vector.broadcast %mul3A_504 : f32 to vector<16xf32>
        %mul3A_506 = arith.mulf %get3A_402, %mul3A_505 : vector<16xf32>
        %sub3A_507 = arith.subf %mul3A_495, %mul3A_503 : vector<16xf32>
        %sub3A_508 = arith.subf %mul3A_500, %mul3A_506 : vector<16xf32>
        %add3A_509 = arith.addf %mul3A_495, %mul3A_503 : vector<16xf32>
        %add3A_510 = arith.addf %mul3A_500, %mul3A_506 : vector<16xf32>
        %max3A = arith.maximumf %sub3A_507, %sub3A_486 : vector<16xf32>
        %max3A_511 = arith.maximumf %sub3A_508, %sub3A_487 : vector<16xf32>
        %min3A = arith.minimumf %add3A_509, %add3A_488 : vector<16xf32>
        %min3A_512 = arith.minimumf %add3A_510, %add3A_489 : vector<16xf32>
        %sub3A_513 = arith.subf %min3A, %max3A : vector<16xf32>
        %max3A_514 = arith.constant 0.000000e+00 : f32
        %max3A_515 = vector.broadcast %max3A_514 : f32 to vector<16xf32>
        %max3A_516 = arith.maximumf %sub3A_513, %max3A_515 : vector<16xf32>
        %sub3A_517 = arith.subf %min3A_512, %max3A_511 : vector<16xf32>
        %max3A_518 = arith.constant 0.000000e+00 : f32
        %max3A_519 = vector.broadcast %max3A_518 : f32 to vector<16xf32>
        %max3A_520 = arith.maximumf %sub3A_517, %max3A_519 : vector<16xf32>
        %mul3A_521 = arith.mulf %max3A_516, %max3A_520 : vector<16xf32>
        %mul3A_522 = arith.mulf %get3A_392, %get3A_402 : vector<16xf32>
        %add3A_523 = arith.addf %mul3A_522, %mul3A_490 : vector<16xf32>
        %sub3A_524 = arith.subf %add3A_523, %mul3A_521 : vector<16xf32>
        %div3A_525 = arith.divf %mul3A_521, %sub3A_524 : vector<16xf32>
        %add3A_526 = vector.broadcast %convert_element_type3A_356 : f32 to vector<16xf32>
        %add3A_527 = arith.addf %get3A_422, %add3A_526 : vector<16xf32>
        %mul3A_528 = arith.constant 0.142857149 : f32
        %mul3A_529 = vector.broadcast %mul3A_528 : f32 to vector<16xf32>
        %mul3A_530 = arith.mulf %add3A_527, %mul3A_529 : vector<16xf32>
        %add3A_531 = vector.broadcast %convert_element_type3A_357 : f32 to vector<16xf32>
        %add3A_532 = arith.addf %get3A_432, %add3A_531 : vector<16xf32>
        %mul3A_533 = arith.constant 0.142857149 : f32
        %mul3A_534 = vector.broadcast %mul3A_533 : f32 to vector<16xf32>
        %mul3A_535 = arith.mulf %add3A_532, %mul3A_534 : vector<16xf32>
        %mul3A_536 = arith.constant 5.000000e-01 : f32
        %mul3A_537 = vector.broadcast %mul3A_536 : f32 to vector<16xf32>
        %mul3A_538 = arith.mulf %get3A_442, %mul3A_537 : vector<16xf32>
        %mul3A_539 = arith.constant 5.000000e-01 : f32
        %mul3A_540 = vector.broadcast %mul3A_539 : f32 to vector<16xf32>
        %mul3A_541 = arith.mulf %get3A_452, %mul3A_540 : vector<16xf32>
        %sub3A_542 = arith.subf %mul3A_530, %mul3A_538 : vector<16xf32>
        %sub3A_543 = arith.subf %mul3A_535, %mul3A_541 : vector<16xf32>
        %add3A_544 = arith.addf %mul3A_530, %mul3A_538 : vector<16xf32>
        %add3A_545 = arith.addf %mul3A_535, %mul3A_541 : vector<16xf32>
        %max3A_546 = arith.maximumf %sub3A_542, %sub3A_486 : vector<16xf32>
        %max3A_547 = arith.maximumf %sub3A_543, %sub3A_487 : vector<16xf32>
        %min3A_548 = arith.minimumf %add3A_544, %add3A_488 : vector<16xf32>
        %min3A_549 = arith.minimumf %add3A_545, %add3A_489 : vector<16xf32>
        %sub3A_550 = arith.subf %min3A_548, %max3A_546 : vector<16xf32>
        %max3A_551 = arith.constant 0.000000e+00 : f32
        %max3A_552 = vector.broadcast %max3A_551 : f32 to vector<16xf32>
        %max3A_553 = arith.maximumf %sub3A_550, %max3A_552 : vector<16xf32>
        %sub3A_554 = arith.subf %min3A_549, %max3A_547 : vector<16xf32>
        %max3A_555 = arith.constant 0.000000e+00 : f32
        %max3A_556 = vector.broadcast %max3A_555 : f32 to vector<16xf32>
        %max3A_557 = arith.maximumf %sub3A_554, %max3A_556 : vector<16xf32>
        %mul3A_558 = arith.mulf %max3A_553, %max3A_557 : vector<16xf32>
        %mul3A_559 = arith.mulf %get3A_442, %get3A_452 : vector<16xf32>
        %add3A_560 = arith.addf %mul3A_559, %mul3A_490 : vector<16xf32>
        %sub3A_561 = arith.subf %add3A_560, %mul3A_558 : vector<16xf32>
        %div3A_562 = arith.divf %mul3A_558, %sub3A_561 : vector<16xf32>
        %gt3A_563 = arith.cmpf ogt, %div3A_562, %div3A_525 : vector<16xf32>
        %max3A_564 = arith.maximumf %div3A_525, %div3A_562 : vector<16xf32>
        %broadcast_in_dim3A_565 = arith.constant 0.000000e+00 : f32
        %broadcast_in_dim3A_566 = vector.broadcast %broadcast_in_dim3A_565 : f32 to vector<16xf32>
        %and3A_567 = arith.andi %gt3A_469, %gt3A_563 : vector<16xi1>
        %jit3A_568 = arith.constant 0.000000e+00 : f32
        %broadcast_in_dim3A_569 = vector.broadcast %jit3A_568 : f32 to vector<16xf32>
        %select_n3A_570 = arith.select %gt3A_563, %broadcast_in_dim3A_569, %max3A_564 : vector<16xi1>, vector<16xf32>
        %select_n3A_571 = arith.select %gt3A_469, %select_n3A_570, %get3A_412 : vector<16xi1>, vector<16xf32>
        %gt3A_572 = arith.constant 0.000000e+00 : f32
        %gt3A_573 = vector.broadcast %gt3A_572 : f32 to vector<16xf32>
        %gt3A_574 = arith.cmpf ogt, %get3A_417, %gt3A_573 : vector<16xf32>
        %not3A = arith.constant dense<true> : vector<16xi1>
        %not3A_575 = arith.xori %and3A_567, %not3A : vector<16xi1>
        %and3A_576 = arith.andi %gt3A_574, %not3A_575 : vector<16xi1>
        %sub3A_577 = arith.subf %select_n3A_571, %get3A_417 : vector<16xf32>
        %mul3A_578 = arith.mulf %sub3A_577, %sub3A_577 : vector<16xf32>
        %mul3A_579 = arith.constant 5.000000e-01 : f32
        %mul3A_580 = vector.broadcast %mul3A_579 : f32 to vector<16xf32>
        %mul3A_581 = arith.mulf %mul3A_580, %mul3A_578 : vector<16xf32>
        %select_n3A_582 = arith.select %and3A_576, %mul3A_578, %mul3A_581 : vector<16xi1>, vector<16xf32>
        %add3A_583 = arith.addf %broadcast_in_dim3A_566, %select_n3A_582 : vector<16xf32>
        %select_n3A_584 = arith.select %gt3A_469, %sub3A_507, %get3A_372 : vector<16xi1>, vector<16xf32>
        %select_n3A_585 = arith.select %gt3A_469, %sub3A_508, %get3A_382 : vector<16xi1>, vector<16xf32>
        %select_n3A_586 = arith.select %gt3A_469, %add3A_509, %get3A_392 : vector<16xi1>, vector<16xf32>
        %select_n3A_587 = arith.select %gt3A_469, %add3A_510, %get3A_402 : vector<16xi1>, vector<16xf32>
        %select_n3A_588 = arith.select %gt3A_469, %sub3A_486, %get3A_377 : vector<16xi1>, vector<16xf32>
        %select_n3A_589 = arith.select %gt3A_469, %sub3A_487, %get3A_387 : vector<16xi1>, vector<16xf32>
        %select_n3A_590 = arith.select %gt3A_469, %add3A_488, %get3A_397 : vector<16xi1>, vector<16xf32>
        %select_n3A_591 = arith.select %gt3A_469, %add3A_489, %get3A_407 : vector<16xi1>, vector<16xf32>
        %sub3A_592 = arith.subf %select_n3A_584, %select_n3A_588 : vector<16xf32>
        %sub3A_593 = arith.subf %select_n3A_585, %select_n3A_589 : vector<16xf32>
        %mul3A_594 = arith.mulf %sub3A_592, %sub3A_592 : vector<16xf32>
        %mul3A_595 = arith.mulf %sub3A_593, %sub3A_593 : vector<16xf32>
        %add3A_596 = arith.addf %mul3A_594, %mul3A_595 : vector<16xf32>
        %add3A_597 = arith.addf %select_n3A_590, %select_n3A_586 : vector<16xf32>
        %mul3A_598 = arith.mulf %select_n3A_590, %select_n3A_586 : vector<16xf32>
        %bitcast_convert_type3A = tpu.bitcast %mul3A_598 : vector<16xf32> -> vector<16xi32>
        %shift_right_logical3A = arith.constant 1 : i32
        %shift_right_logical3A_599 = vector.broadcast %shift_right_logical3A : i32 to vector<16xi32>
        %shift_right_logical3A_600 = arith.shrui %bitcast_convert_type3A, %shift_right_logical3A_599 : vector<16xi32>
        %add3A_601 = arith.constant 532487669 : i32
        %add3A_602 = vector.broadcast %add3A_601 : i32 to vector<16xi32>
        %add3A_603 = arith.addi %add3A_602, %shift_right_logical3A_600 : vector<16xi32>
        %bitcast_convert_type3A_604 = tpu.bitcast %add3A_603 : vector<16xi32> -> vector<16xf32>
        %div3A_605 = arith.divf %mul3A_598, %bitcast_convert_type3A_604 : vector<16xf32>
        %add3A_606 = arith.addf %bitcast_convert_type3A_604, %div3A_605 : vector<16xf32>
        %mul3A_607 = arith.constant 5.000000e-01 : f32
        %mul3A_608 = vector.broadcast %mul3A_607 : f32 to vector<16xf32>
        %mul3A_609 = arith.mulf %mul3A_608, %add3A_606 : vector<16xf32>
        %mul3A_610 = arith.constant 2.000000e+00 : f32
        %mul3A_611 = vector.broadcast %mul3A_610 : f32 to vector<16xf32>
        %mul3A_612 = arith.mulf %mul3A_611, %mul3A_609 : vector<16xf32>
        %sub3A_613 = arith.subf %add3A_597, %mul3A_612 : vector<16xf32>
        %add3A_614 = arith.addf %select_n3A_591, %select_n3A_587 : vector<16xf32>
        %mul3A_615 = arith.mulf %select_n3A_591, %select_n3A_587 : vector<16xf32>
        %bitcast_convert_type3A_616 = tpu.bitcast %mul3A_615 : vector<16xf32> -> vector<16xi32>
        %shift_right_logical3A_617 = arith.constant 1 : i32
        %shift_right_logical3A_618 = vector.broadcast %shift_right_logical3A_617 : i32 to vector<16xi32>
        %shift_right_logical3A_619 = arith.shrui %bitcast_convert_type3A_616, %shift_right_logical3A_618 : vector<16xi32>
        %add3A_620 = arith.constant 532487669 : i32
        %add3A_621 = vector.broadcast %add3A_620 : i32 to vector<16xi32>
        %add3A_622 = arith.addi %add3A_621, %shift_right_logical3A_619 : vector<16xi32>
        %bitcast_convert_type3A_623 = tpu.bitcast %add3A_622 : vector<16xi32> -> vector<16xf32>
        %div3A_624 = arith.divf %mul3A_615, %bitcast_convert_type3A_623 : vector<16xf32>
        %add3A_625 = arith.addf %bitcast_convert_type3A_623, %div3A_624 : vector<16xf32>
        %mul3A_626 = arith.constant 5.000000e-01 : f32
        %mul3A_627 = vector.broadcast %mul3A_626 : f32 to vector<16xf32>
        %mul3A_628 = arith.mulf %mul3A_627, %add3A_625 : vector<16xf32>
        %mul3A_629 = arith.constant 2.000000e+00 : f32
        %mul3A_630 = vector.broadcast %mul3A_629 : f32 to vector<16xf32>
        %mul3A_631 = arith.mulf %mul3A_630, %mul3A_628 : vector<16xf32>
        %sub3A_632 = arith.subf %add3A_614, %mul3A_631 : vector<16xf32>
        %add3A_633 = arith.addf %sub3A_613, %sub3A_632 : vector<16xf32>
        %add3A_634 = arith.addf %add3A_596, %add3A_633 : vector<16xf32>
        %jit3A_635 = arith.constant 0.000000e+00 : f32
        %broadcast_in_dim3A_636 = vector.broadcast %jit3A_635 : f32 to vector<16xf32>
        %select_n3A_637 = arith.select %and3A_576, %add3A_634, %broadcast_in_dim3A_636 : vector<16xi1>, vector<16xf32>
        %add3A_638 = arith.addf %broadcast_in_dim3A_566, %select_n3A_637 : vector<16xf32>
        %jit3A_639 = arith.constant 0.000000e+00 : f32
        %broadcast_in_dim3A_640 = vector.broadcast %jit3A_639 : f32 to vector<16xf32>
        %select_n3A_641 = arith.select %gt3A_563, %max3A_564, %broadcast_in_dim3A_640 : vector<16xi1>, vector<16xf32>
        %select_n3A_642 = arith.select %gt3A_469, %select_n3A_641, %get3A_462 : vector<16xi1>, vector<16xf32>
        %sub3A_643 = arith.subf %select_n3A_642, %get3A_467 : vector<16xf32>
        %mul3A_644 = arith.mulf %sub3A_643, %sub3A_643 : vector<16xf32>
        %mul3A_645 = arith.constant 5.000000e-01 : f32
        %mul3A_646 = vector.broadcast %mul3A_645 : f32 to vector<16xf32>
        %mul3A_647 = arith.mulf %mul3A_646, %mul3A_644 : vector<16xf32>
        %select_n3A_648 = arith.select %and3A_567, %mul3A_644, %mul3A_647 : vector<16xi1>, vector<16xf32>
        %add3A_649 = arith.addf %add3A_583, %select_n3A_648 : vector<16xf32>
        %select_n3A_650 = arith.select %gt3A_469, %sub3A_542, %get3A_422 : vector<16xi1>, vector<16xf32>
        %select_n3A_651 = arith.select %gt3A_469, %sub3A_543, %get3A_432 : vector<16xi1>, vector<16xf32>
        %select_n3A_652 = arith.select %gt3A_469, %add3A_544, %get3A_442 : vector<16xi1>, vector<16xf32>
        %select_n3A_653 = arith.select %gt3A_469, %add3A_545, %get3A_452 : vector<16xi1>, vector<16xf32>
        %sub3A_654 = arith.subf %select_n3A_650, %get3A_427 : vector<16xf32>
        %sub3A_655 = arith.subf %select_n3A_651, %get3A_437 : vector<16xf32>
        %mul3A_656 = arith.mulf %sub3A_654, %sub3A_654 : vector<16xf32>
        %mul3A_657 = arith.mulf %sub3A_655, %sub3A_655 : vector<16xf32>
        %add3A_658 = arith.addf %mul3A_656, %mul3A_657 : vector<16xf32>
        %add3A_659 = arith.addf %get3A_447, %select_n3A_652 : vector<16xf32>
        %mul3A_660 = arith.mulf %get3A_447, %select_n3A_652 : vector<16xf32>
        %bitcast_convert_type3A_661 = tpu.bitcast %mul3A_660 : vector<16xf32> -> vector<16xi32>
        %shift_right_logical3A_662 = arith.constant 1 : i32
        %shift_right_logical3A_663 = vector.broadcast %shift_right_logical3A_662 : i32 to vector<16xi32>
        %shift_right_logical3A_664 = arith.shrui %bitcast_convert_type3A_661, %shift_right_logical3A_663 : vector<16xi32>
        %add3A_665 = arith.constant 532487669 : i32
        %add3A_666 = vector.broadcast %add3A_665 : i32 to vector<16xi32>
        %add3A_667 = arith.addi %add3A_666, %shift_right_logical3A_664 : vector<16xi32>
        %bitcast_convert_type3A_668 = tpu.bitcast %add3A_667 : vector<16xi32> -> vector<16xf32>
        %div3A_669 = arith.divf %mul3A_660, %bitcast_convert_type3A_668 : vector<16xf32>
        %add3A_670 = arith.addf %bitcast_convert_type3A_668, %div3A_669 : vector<16xf32>
        %mul3A_671 = arith.constant 5.000000e-01 : f32
        %mul3A_672 = vector.broadcast %mul3A_671 : f32 to vector<16xf32>
        %mul3A_673 = arith.mulf %mul3A_672, %add3A_670 : vector<16xf32>
        %mul3A_674 = arith.constant 2.000000e+00 : f32
        %mul3A_675 = vector.broadcast %mul3A_674 : f32 to vector<16xf32>
        %mul3A_676 = arith.mulf %mul3A_675, %mul3A_673 : vector<16xf32>
        %sub3A_677 = arith.subf %add3A_659, %mul3A_676 : vector<16xf32>
        %add3A_678 = arith.addf %get3A_457, %select_n3A_653 : vector<16xf32>
        %mul3A_679 = arith.mulf %get3A_457, %select_n3A_653 : vector<16xf32>
        %bitcast_convert_type3A_680 = tpu.bitcast %mul3A_679 : vector<16xf32> -> vector<16xi32>
        %shift_right_logical3A_681 = arith.constant 1 : i32
        %shift_right_logical3A_682 = vector.broadcast %shift_right_logical3A_681 : i32 to vector<16xi32>
        %shift_right_logical3A_683 = arith.shrui %bitcast_convert_type3A_680, %shift_right_logical3A_682 : vector<16xi32>
        %add3A_684 = arith.constant 532487669 : i32
        %add3A_685 = vector.broadcast %add3A_684 : i32 to vector<16xi32>
        %add3A_686 = arith.addi %add3A_685, %shift_right_logical3A_683 : vector<16xi32>
        %bitcast_convert_type3A_687 = tpu.bitcast %add3A_686 : vector<16xi32> -> vector<16xf32>
        %div3A_688 = arith.divf %mul3A_679, %bitcast_convert_type3A_687 : vector<16xf32>
        %add3A_689 = arith.addf %bitcast_convert_type3A_687, %div3A_688 : vector<16xf32>
        %mul3A_690 = arith.constant 5.000000e-01 : f32
        %mul3A_691 = vector.broadcast %mul3A_690 : f32 to vector<16xf32>
        %mul3A_692 = arith.mulf %mul3A_691, %add3A_689 : vector<16xf32>
        %mul3A_693 = arith.constant 2.000000e+00 : f32
        %mul3A_694 = vector.broadcast %mul3A_693 : f32 to vector<16xf32>
        %mul3A_695 = arith.mulf %mul3A_694, %mul3A_692 : vector<16xf32>
        %sub3A_696 = arith.subf %add3A_678, %mul3A_695 : vector<16xf32>
        %add3A_697 = arith.addf %sub3A_677, %sub3A_696 : vector<16xf32>
        %add3A_698 = arith.addf %add3A_658, %add3A_697 : vector<16xf32>
        %jit3A_699 = arith.constant 0.000000e+00 : f32
        %broadcast_in_dim3A_700 = vector.broadcast %jit3A_699 : f32 to vector<16xf32>
        %select_n3A_701 = arith.select %and3A_567, %add3A_698, %broadcast_in_dim3A_700 : vector<16xi1>, vector<16xf32>
        %add3A_702 = arith.addf %add3A_638, %select_n3A_701 : vector<16xf32>
        %get3A_703 = arith.constant 10 : i32
        %get3A_704 = arith.index_cast %rem3A_298 : i32 to index
        %get3A_705 = arith.index_cast %get3A_703 : i32 to index
        %get3A_706 = arith.index_cast %mul3A_368 : i32 to index
        %get3A_707 = tpu.vector_load %arg5[%get3A_704, %get3A_705, %get3A_706] {strides = array<i32>} : memref<2x30x512xf32, #tpu.memory_space<vmem>>, vector<16xf32>,
        %get3A_708 = arith.constant 10 : i32
        %get3A_709 = arith.index_cast %rem3A_298 : i32 to index
        %get3A_710 = arith.index_cast %get3A_708 : i32 to index
        %get3A_711 = arith.index_cast %mul3A_368 : i32 to index
        %get3A_712 = tpu.vector_load %arg6[%get3A_709, %get3A_710, %get3A_711] {strides = array<i32>} : memref<2x30x512xf32, #tpu.memory_space<vmem>>, vector<16xf32>,
        %sub3A_713 = arith.subf %get3A_707, %get3A_712 : vector<16xf32>
        %mul3A_714 = arith.mulf %sub3A_713, %sub3A_713 : vector<16xf32>
        %add3A_715 = arith.addf %broadcast_in_dim3A_566, %mul3A_714 : vector<16xf32>
        %get3A_716 = arith.constant 11 : i32
        %get3A_717 = arith.index_cast %rem3A_298 : i32 to index
        %get3A_718 = arith.index_cast %get3A_716 : i32 to index
        %get3A_719 = arith.index_cast %mul3A_368 : i32 to index
        %get3A_720 = tpu.vector_load %arg5[%get3A_717, %get3A_718, %get3A_719] {strides = array<i32>} : memref<2x30x512xf32, #tpu.memory_space<vmem>>, vector<16xf32>,
        %get3A_721 = arith.constant 11 : i32
        %get3A_722 = arith.index_cast %rem3A_298 : i32 to index
        %get3A_723 = arith.index_cast %get3A_721 : i32 to index
        %get3A_724 = arith.index_cast %mul3A_368 : i32 to index
        %get3A_725 = tpu.vector_load %arg6[%get3A_722, %get3A_723, %get3A_724] {strides = array<i32>} : memref<2x30x512xf32, #tpu.memory_space<vmem>>, vector<16xf32>,
        %sub3A_726 = arith.subf %get3A_720, %get3A_725 : vector<16xf32>
        %mul3A_727 = arith.mulf %sub3A_726, %sub3A_726 : vector<16xf32>
        %add3A_728 = arith.addf %add3A_715, %mul3A_727 : vector<16xf32>
        %get3A_729 = arith.constant 12 : i32
        %get3A_730 = arith.index_cast %rem3A_298 : i32 to index
        %get3A_731 = arith.index_cast %get3A_729 : i32 to index
        %get3A_732 = arith.index_cast %mul3A_368 : i32 to index
        %get3A_733 = tpu.vector_load %arg5[%get3A_730, %get3A_731, %get3A_732] {strides = array<i32>} : memref<2x30x512xf32, #tpu.memory_space<vmem>>, vector<16xf32>,
        %get3A_734 = arith.constant 12 : i32
        %get3A_735 = arith.index_cast %rem3A_298 : i32 to index
        %get3A_736 = arith.index_cast %get3A_734 : i32 to index
        %get3A_737 = arith.index_cast %mul3A_368 : i32 to index
        %get3A_738 = tpu.vector_load %arg6[%get3A_735, %get3A_736, %get3A_737] {strides = array<i32>} : memref<2x30x512xf32, #tpu.memory_space<vmem>>, vector<16xf32>,
        %sub3A_739 = arith.subf %get3A_733, %get3A_738 : vector<16xf32>
        %mul3A_740 = arith.mulf %sub3A_739, %sub3A_739 : vector<16xf32>
        %add3A_741 = arith.addf %add3A_728, %mul3A_740 : vector<16xf32>
        %get3A_742 = arith.constant 13 : i32
        %get3A_743 = arith.index_cast %rem3A_298 : i32 to index
        %get3A_744 = arith.index_cast %get3A_742 : i32 to index
        %get3A_745 = arith.index_cast %mul3A_368 : i32 to index
        %get3A_746 = tpu.vector_load %arg5[%get3A_743, %get3A_744, %get3A_745] {strides = array<i32>} : memref<2x30x512xf32, #tpu.memory_space<vmem>>, vector<16xf32>,
        %get3A_747 = arith.constant 13 : i32
        %get3A_748 = arith.index_cast %rem3A_298 : i32 to index
        %get3A_749 = arith.index_cast %get3A_747 : i32 to index
        %get3A_750 = arith.index_cast %mul3A_368 : i32 to index
        %get3A_751 = tpu.vector_load %arg6[%get3A_748, %get3A_749, %get3A_750] {strides = array<i32>} : memref<2x30x512xf32, #tpu.memory_space<vmem>>, vector<16xf32>,
        %sub3A_752 = arith.subf %get3A_746, %get3A_751 : vector<16xf32>
        %mul3A_753 = arith.mulf %sub3A_752, %sub3A_752 : vector<16xf32>
        %add3A_754 = arith.addf %add3A_741, %mul3A_753 : vector<16xf32>
        %get3A_755 = arith.constant 14 : i32
        %get3A_756 = arith.index_cast %rem3A_298 : i32 to index
        %get3A_757 = arith.index_cast %get3A_755 : i32 to index
        %get3A_758 = arith.index_cast %mul3A_368 : i32 to index
        %get3A_759 = tpu.vector_load %arg5[%get3A_756, %get3A_757, %get3A_758] {strides = array<i32>} : memref<2x30x512xf32, #tpu.memory_space<vmem>>, vector<16xf32>,
        %get3A_760 = arith.constant 14 : i32
        %get3A_761 = arith.index_cast %rem3A_298 : i32 to index
        %get3A_762 = arith.index_cast %get3A_760 : i32 to index
        %get3A_763 = arith.index_cast %mul3A_368 : i32 to index
        %get3A_764 = tpu.vector_load %arg6[%get3A_761, %get3A_762, %get3A_763] {strides = array<i32>} : memref<2x30x512xf32, #tpu.memory_space<vmem>>, vector<16xf32>,
        %sub3A_765 = arith.subf %get3A_759, %get3A_764 : vector<16xf32>
        %mul3A_766 = arith.mulf %sub3A_765, %sub3A_765 : vector<16xf32>
        %add3A_767 = arith.addf %add3A_754, %mul3A_766 : vector<16xf32>
        %get3A_768 = arith.constant 15 : i32
        %get3A_769 = arith.index_cast %rem3A_298 : i32 to index
        %get3A_770 = arith.index_cast %get3A_768 : i32 to index
        %get3A_771 = arith.index_cast %mul3A_368 : i32 to index
        %get3A_772 = tpu.vector_load %arg5[%get3A_769, %get3A_770, %get3A_771] {strides = array<i32>} : memref<2x30x512xf32, #tpu.memory_space<vmem>>, vector<16xf32>,
        %get3A_773 = arith.constant 15 : i32
        %get3A_774 = arith.index_cast %rem3A_298 : i32 to index
        %get3A_775 = arith.index_cast %get3A_773 : i32 to index
        %get3A_776 = arith.index_cast %mul3A_368 : i32 to index
        %get3A_777 = tpu.vector_load %arg6[%get3A_774, %get3A_775, %get3A_776] {strides = array<i32>} : memref<2x30x512xf32, #tpu.memory_space<vmem>>, vector<16xf32>,
        %sub3A_778 = arith.subf %get3A_772, %get3A_777 : vector<16xf32>
        %mul3A_779 = arith.mulf %sub3A_778, %sub3A_778 : vector<16xf32>
        %add3A_780 = arith.addf %add3A_767, %mul3A_779 : vector<16xf32>
        %get3A_781 = arith.constant 16 : i32
        %get3A_782 = arith.index_cast %rem3A_298 : i32 to index
        %get3A_783 = arith.index_cast %get3A_781 : i32 to index
        %get3A_784 = arith.index_cast %mul3A_368 : i32 to index
        %get3A_785 = tpu.vector_load %arg5[%get3A_782, %get3A_783, %get3A_784] {strides = array<i32>} : memref<2x30x512xf32, #tpu.memory_space<vmem>>, vector<16xf32>,
        %get3A_786 = arith.constant 16 : i32
        %get3A_787 = arith.index_cast %rem3A_298 : i32 to index
        %get3A_788 = arith.index_cast %get3A_786 : i32 to index
        %get3A_789 = arith.index_cast %mul3A_368 : i32 to index
        %get3A_790 = tpu.vector_load %arg6[%get3A_787, %get3A_788, %get3A_789] {strides = array<i32>} : memref<2x30x512xf32, #tpu.memory_space<vmem>>, vector<16xf32>,
        %sub3A_791 = arith.subf %get3A_785, %get3A_790 : vector<16xf32>
        %mul3A_792 = arith.mulf %sub3A_791, %sub3A_791 : vector<16xf32>
        %add3A_793 = arith.addf %add3A_780, %mul3A_792 : vector<16xf32>
        %get3A_794 = arith.constant 17 : i32
        %get3A_795 = arith.index_cast %rem3A_298 : i32 to index
        %get3A_796 = arith.index_cast %get3A_794 : i32 to index
        %get3A_797 = arith.index_cast %mul3A_368 : i32 to index
        %get3A_798 = tpu.vector_load %arg5[%get3A_795, %get3A_796, %get3A_797] {strides = array<i32>} : memref<2x30x512xf32, #tpu.memory_space<vmem>>, vector<16xf32>,
        %get3A_799 = arith.constant 17 : i32
        %get3A_800 = arith.index_cast %rem3A_298 : i32 to index
        %get3A_801 = arith.index_cast %get3A_799 : i32 to index
        %get3A_802 = arith.index_cast %mul3A_368 : i32 to index
        %get3A_803 = tpu.vector_load %arg6[%get3A_800, %get3A_801, %get3A_802] {strides = array<i32>} : memref<2x30x512xf32, #tpu.memory_space<vmem>>, vector<16xf32>,
        %sub3A_804 = arith.subf %get3A_798, %get3A_803 : vector<16xf32>
        %mul3A_805 = arith.mulf %sub3A_804, %sub3A_804 : vector<16xf32>
        %add3A_806 = arith.addf %add3A_793, %mul3A_805 : vector<16xf32>
        %get3A_807 = arith.constant 18 : i32
        %get3A_808 = arith.index_cast %rem3A_298 : i32 to index
        %get3A_809 = arith.index_cast %get3A_807 : i32 to index
        %get3A_810 = arith.index_cast %mul3A_368 : i32 to index
        %get3A_811 = tpu.vector_load %arg5[%get3A_808, %get3A_809, %get3A_810] {strides = array<i32>} : memref<2x30x512xf32, #tpu.memory_space<vmem>>, vector<16xf32>,
        %get3A_812 = arith.constant 18 : i32
        %get3A_813 = arith.index_cast %rem3A_298 : i32 to index
        %get3A_814 = arith.index_cast %get3A_812 : i32 to index
        %get3A_815 = arith.index_cast %mul3A_368 : i32 to index
        %get3A_816 = tpu.vector_load %arg6[%get3A_813, %get3A_814, %get3A_815] {strides = array<i32>} : memref<2x30x512xf32, #tpu.memory_space<vmem>>, vector<16xf32>,
        %sub3A_817 = arith.subf %get3A_811, %get3A_816 : vector<16xf32>
        %mul3A_818 = arith.mulf %sub3A_817, %sub3A_817 : vector<16xf32>
        %add3A_819 = arith.addf %add3A_806, %mul3A_818 : vector<16xf32>
        %get3A_820 = arith.constant 19 : i32
        %get3A_821 = arith.index_cast %rem3A_298 : i32 to index
        %get3A_822 = arith.index_cast %get3A_820 : i32 to index
        %get3A_823 = arith.index_cast %mul3A_368 : i32 to index
        %get3A_824 = tpu.vector_load %arg5[%get3A_821, %get3A_822, %get3A_823] {strides = array<i32>} : memref<2x30x512xf32, #tpu.memory_space<vmem>>, vector<16xf32>,
        %get3A_825 = arith.constant 19 : i32
        %get3A_826 = arith.index_cast %rem3A_298 : i32 to index
        %get3A_827 = arith.index_cast %get3A_825 : i32 to index
        %get3A_828 = arith.index_cast %mul3A_368 : i32 to index
        %get3A_829 = tpu.vector_load %arg6[%get3A_826, %get3A_827, %get3A_828] {strides = array<i32>} : memref<2x30x512xf32, #tpu.memory_space<vmem>>, vector<16xf32>,
        %sub3A_830 = arith.subf %get3A_824, %get3A_829 : vector<16xf32>
        %mul3A_831 = arith.mulf %sub3A_830, %sub3A_830 : vector<16xf32>
        %add3A_832 = arith.addf %add3A_819, %mul3A_831 : vector<16xf32>
        %get3A_833 = arith.constant 20 : i32
        %get3A_834 = arith.index_cast %rem3A_298 : i32 to index
        %get3A_835 = arith.index_cast %get3A_833 : i32 to index
        %get3A_836 = arith.index_cast %mul3A_368 : i32 to index
        %get3A_837 = tpu.vector_load %arg5[%get3A_834, %get3A_835, %get3A_836] {strides = array<i32>} : memref<2x30x512xf32, #tpu.memory_space<vmem>>, vector<16xf32>,
        %get3A_838 = arith.constant 20 : i32
        %get3A_839 = arith.index_cast %rem3A_298 : i32 to index
        %get3A_840 = arith.index_cast %get3A_838 : i32 to index
        %get3A_841 = arith.index_cast %mul3A_368 : i32 to index
        %get3A_842 = tpu.vector_load %arg6[%get3A_839, %get3A_840, %get3A_841] {strides = array<i32>} : memref<2x30x512xf32, #tpu.memory_space<vmem>>, vector<16xf32>,
        %sub3A_843 = arith.subf %get3A_837, %get3A_842 : vector<16xf32>
        %mul3A_844 = arith.mulf %sub3A_843, %sub3A_843 : vector<16xf32>
        %add3A_845 = arith.addf %add3A_832, %mul3A_844 : vector<16xf32>
        %get3A_846 = arith.constant 21 : i32
        %get3A_847 = arith.index_cast %rem3A_298 : i32 to index
        %get3A_848 = arith.index_cast %get3A_846 : i32 to index
        %get3A_849 = arith.index_cast %mul3A_368 : i32 to index
        %get3A_850 = tpu.vector_load %arg5[%get3A_847, %get3A_848, %get3A_849] {strides = array<i32>} : memref<2x30x512xf32, #tpu.memory_space<vmem>>, vector<16xf32>,
        %get3A_851 = arith.constant 21 : i32
        %get3A_852 = arith.index_cast %rem3A_298 : i32 to index
        %get3A_853 = arith.index_cast %get3A_851 : i32 to index
        %get3A_854 = arith.index_cast %mul3A_368 : i32 to index
        %get3A_855 = tpu.vector_load %arg6[%get3A_852, %get3A_853, %get3A_854] {strides = array<i32>} : memref<2x30x512xf32, #tpu.memory_space<vmem>>, vector<16xf32>,
        %sub3A_856 = arith.subf %get3A_850, %get3A_855 : vector<16xf32>
        %mul3A_857 = arith.mulf %sub3A_856, %sub3A_856 : vector<16xf32>
        %add3A_858 = arith.addf %add3A_845, %mul3A_857 : vector<16xf32>
        %get3A_859 = arith.constant 22 : i32
        %get3A_860 = arith.index_cast %rem3A_298 : i32 to index
        %get3A_861 = arith.index_cast %get3A_859 : i32 to index
        %get3A_862 = arith.index_cast %mul3A_368 : i32 to index
        %get3A_863 = tpu.vector_load %arg5[%get3A_860, %get3A_861, %get3A_862] {strides = array<i32>} : memref<2x30x512xf32, #tpu.memory_space<vmem>>, vector<16xf32>,
        %get3A_864 = arith.constant 22 : i32
        %get3A_865 = arith.index_cast %rem3A_298 : i32 to index
        %get3A_866 = arith.index_cast %get3A_864 : i32 to index
        %get3A_867 = arith.index_cast %mul3A_368 : i32 to index
        %get3A_868 = tpu.vector_load %arg6[%get3A_865, %get3A_866, %get3A_867] {strides = array<i32>} : memref<2x30x512xf32, #tpu.memory_space<vmem>>, vector<16xf32>,
        %sub3A_869 = arith.subf %get3A_863, %get3A_868 : vector<16xf32>
        %mul3A_870 = arith.mulf %sub3A_869, %sub3A_869 : vector<16xf32>
        %add3A_871 = arith.addf %add3A_858, %mul3A_870 : vector<16xf32>
        %get3A_872 = arith.constant 23 : i32
        %get3A_873 = arith.index_cast %rem3A_298 : i32 to index
        %get3A_874 = arith.index_cast %get3A_872 : i32 to index
        %get3A_875 = arith.index_cast %mul3A_368 : i32 to index
        %get3A_876 = tpu.vector_load %arg5[%get3A_873, %get3A_874, %get3A_875] {strides = array<i32>} : memref<2x30x512xf32, #tpu.memory_space<vmem>>, vector<16xf32>,
        %get3A_877 = arith.constant 23 : i32
        %get3A_878 = arith.index_cast %rem3A_298 : i32 to index
        %get3A_879 = arith.index_cast %get3A_877 : i32 to index
        %get3A_880 = arith.index_cast %mul3A_368 : i32 to index
        %get3A_881 = tpu.vector_load %arg6[%get3A_878, %get3A_879, %get3A_880] {strides = array<i32>} : memref<2x30x512xf32, #tpu.memory_space<vmem>>, vector<16xf32>,
        %sub3A_882 = arith.subf %get3A_876, %get3A_881 : vector<16xf32>
        %mul3A_883 = arith.mulf %sub3A_882, %sub3A_882 : vector<16xf32>
        %add3A_884 = arith.addf %add3A_871, %mul3A_883 : vector<16xf32>
        %get3A_885 = arith.constant 24 : i32
        %get3A_886 = arith.index_cast %rem3A_298 : i32 to index
        %get3A_887 = arith.index_cast %get3A_885 : i32 to index
        %get3A_888 = arith.index_cast %mul3A_368 : i32 to index
        %get3A_889 = tpu.vector_load %arg5[%get3A_886, %get3A_887, %get3A_888] {strides = array<i32>} : memref<2x30x512xf32, #tpu.memory_space<vmem>>, vector<16xf32>,
        %get3A_890 = arith.constant 24 : i32
        %get3A_891 = arith.index_cast %rem3A_298 : i32 to index
        %get3A_892 = arith.index_cast %get3A_890 : i32 to index
        %get3A_893 = arith.index_cast %mul3A_368 : i32 to index
        %get3A_894 = tpu.vector_load %arg6[%get3A_891, %get3A_892, %get3A_893] {strides = array<i32>} : memref<2x30x512xf32, #tpu.memory_space<vmem>>, vector<16xf32>,
        %sub3A_895 = arith.subf %get3A_889, %get3A_894 : vector<16xf32>
        %mul3A_896 = arith.mulf %sub3A_895, %sub3A_895 : vector<16xf32>
        %add3A_897 = arith.addf %add3A_884, %mul3A_896 : vector<16xf32>
        %get3A_898 = arith.constant 25 : i32
        %get3A_899 = arith.index_cast %rem3A_298 : i32 to index
        %get3A_900 = arith.index_cast %get3A_898 : i32 to index
        %get3A_901 = arith.index_cast %mul3A_368 : i32 to index
        %get3A_902 = tpu.vector_load %arg5[%get3A_899, %get3A_900, %get3A_901] {strides = array<i32>} : memref<2x30x512xf32, #tpu.memory_space<vmem>>, vector<16xf32>,
        %get3A_903 = arith.constant 25 : i32
        %get3A_904 = arith.index_cast %rem3A_298 : i32 to index
        %get3A_905 = arith.index_cast %get3A_903 : i32 to index
        %get3A_906 = arith.index_cast %mul3A_368 : i32 to index
        %get3A_907 = tpu.vector_load %arg6[%get3A_904, %get3A_905, %get3A_906] {strides = array<i32>} : memref<2x30x512xf32, #tpu.memory_space<vmem>>, vector<16xf32>,
        %sub3A_908 = arith.subf %get3A_902, %get3A_907 : vector<16xf32>
        %mul3A_909 = arith.mulf %sub3A_908, %sub3A_908 : vector<16xf32>
        %add3A_910 = arith.addf %add3A_897, %mul3A_909 : vector<16xf32>
        %get3A_911 = arith.constant 26 : i32
        %get3A_912 = arith.index_cast %rem3A_298 : i32 to index
        %get3A_913 = arith.index_cast %get3A_911 : i32 to index
        %get3A_914 = arith.index_cast %mul3A_368 : i32 to index
        %get3A_915 = tpu.vector_load %arg5[%get3A_912, %get3A_913, %get3A_914] {strides = array<i32>} : memref<2x30x512xf32, #tpu.memory_space<vmem>>, vector<16xf32>,
        %get3A_916 = arith.constant 26 : i32
        %get3A_917 = arith.index_cast %rem3A_298 : i32 to index
        %get3A_918 = arith.index_cast %get3A_916 : i32 to index
        %get3A_919 = arith.index_cast %mul3A_368 : i32 to index
        %get3A_920 = tpu.vector_load %arg6[%get3A_917, %get3A_918, %get3A_919] {strides = array<i32>} : memref<2x30x512xf32, #tpu.memory_space<vmem>>, vector<16xf32>,
        %sub3A_921 = arith.subf %get3A_915, %get3A_920 : vector<16xf32>
        %mul3A_922 = arith.mulf %sub3A_921, %sub3A_921 : vector<16xf32>
        %add3A_923 = arith.addf %add3A_910, %mul3A_922 : vector<16xf32>
        %get3A_924 = arith.constant 27 : i32
        %get3A_925 = arith.index_cast %rem3A_298 : i32 to index
        %get3A_926 = arith.index_cast %get3A_924 : i32 to index
        %get3A_927 = arith.index_cast %mul3A_368 : i32 to index
        %get3A_928 = tpu.vector_load %arg5[%get3A_925, %get3A_926, %get3A_927] {strides = array<i32>} : memref<2x30x512xf32, #tpu.memory_space<vmem>>, vector<16xf32>,
        %get3A_929 = arith.constant 27 : i32
        %get3A_930 = arith.index_cast %rem3A_298 : i32 to index
        %get3A_931 = arith.index_cast %get3A_929 : i32 to index
        %get3A_932 = arith.index_cast %mul3A_368 : i32 to index
        %get3A_933 = tpu.vector_load %arg6[%get3A_930, %get3A_931, %get3A_932] {strides = array<i32>} : memref<2x30x512xf32, #tpu.memory_space<vmem>>, vector<16xf32>,
        %sub3A_934 = arith.subf %get3A_928, %get3A_933 : vector<16xf32>
        %mul3A_935 = arith.mulf %sub3A_934, %sub3A_934 : vector<16xf32>
        %add3A_936 = arith.addf %add3A_923, %mul3A_935 : vector<16xf32>
        %get3A_937 = arith.constant 28 : i32
        %get3A_938 = arith.index_cast %rem3A_298 : i32 to index
        %get3A_939 = arith.index_cast %get3A_937 : i32 to index
        %get3A_940 = arith.index_cast %mul3A_368 : i32 to index
        %get3A_941 = tpu.vector_load %arg5[%get3A_938, %get3A_939, %get3A_940] {strides = array<i32>} : memref<2x30x512xf32, #tpu.memory_space<vmem>>, vector<16xf32>,
        %get3A_942 = arith.constant 28 : i32
        %get3A_943 = arith.index_cast %rem3A_298 : i32 to index
        %get3A_944 = arith.index_cast %get3A_942 : i32 to index
        %get3A_945 = arith.index_cast %mul3A_368 : i32 to index
        %get3A_946 = tpu.vector_load %arg6[%get3A_943, %get3A_944, %get3A_945] {strides = array<i32>} : memref<2x30x512xf32, #tpu.memory_space<vmem>>, vector<16xf32>,
        %sub3A_947 = arith.subf %get3A_941, %get3A_946 : vector<16xf32>
        %mul3A_948 = arith.mulf %sub3A_947, %sub3A_947 : vector<16xf32>
        %add3A_949 = arith.addf %add3A_936, %mul3A_948 : vector<16xf32>
        %get3A_950 = arith.constant 29 : i32
        %get3A_951 = arith.index_cast %rem3A_298 : i32 to index
        %get3A_952 = arith.index_cast %get3A_950 : i32 to index
        %get3A_953 = arith.index_cast %mul3A_368 : i32 to index
        %get3A_954 = tpu.vector_load %arg5[%get3A_951, %get3A_952, %get3A_953] {strides = array<i32>} : memref<2x30x512xf32, #tpu.memory_space<vmem>>, vector<16xf32>,
        %get3A_955 = arith.constant 29 : i32
        %get3A_956 = arith.index_cast %rem3A_298 : i32 to index
        %get3A_957 = arith.index_cast %get3A_955 : i32 to index
        %get3A_958 = arith.index_cast %mul3A_368 : i32 to index
        %get3A_959 = tpu.vector_load %arg6[%get3A_956, %get3A_957, %get3A_958] {strides = array<i32>} : memref<2x30x512xf32, #tpu.memory_space<vmem>>, vector<16xf32>,
        %sub3A_960 = arith.subf %get3A_954, %get3A_959 : vector<16xf32>
        %mul3A_961 = arith.mulf %sub3A_960, %sub3A_960 : vector<16xf32>
        %add3A_962 = arith.addf %add3A_949, %mul3A_961 : vector<16xf32>
        %jit3A_963 = arith.constant 0.000000e+00 : f32
        %broadcast_in_dim3A_964 = vector.broadcast %jit3A_963 : f32 to vector<16xf32>
        %select_n3A_965 = arith.select %gt3A_469, %add3A_962, %broadcast_in_dim3A_964 : vector<16xi1>, vector<16xf32>
        %swap3A_966 = arith.constant 0 : i32
        %swap3A_967 = arith.index_cast %swap3A_966 : i32 to index
        %swap3A_968 = arith.constant 0 : index
        %swap3A_969 = tpu.vector_load %arg7[%swap3A_967, %swap3A_968] {strides = array<i32>} : memref<8x128xf32, #tpu.memory_space<vmem>>, vector<16xf32>,
        tpu.vector_store %arg7[%swap3A_967, %swap3A_968], %add3A_649 {add = true, strides = array<i32>} : memref<8x128xf32, #tpu.memory_space<vmem>>, vector<16xf32>,
        %swap3A_970 = arith.constant 1 : i32
        %swap3A_971 = arith.index_cast %swap3A_970 : i32 to index
        %swap3A_972 = arith.constant 0 : index
        %swap3A_973 = tpu.vector_load %arg7[%swap3A_971, %swap3A_972] {strides = array<i32>} : memref<8x128xf32, #tpu.memory_space<vmem>>, vector<16xf32>,
        tpu.vector_store %arg7[%swap3A_971, %swap3A_972], %add3A_702 {add = true, strides = array<i32>} : memref<8x128xf32, #tpu.memory_space<vmem>>, vector<16xf32>,
        %swap3A_974 = arith.constant 2 : i32
        %swap3A_975 = arith.index_cast %swap3A_974 : i32 to index
        %swap3A_976 = arith.constant 0 : index
        %swap3A_977 = tpu.vector_load %arg7[%swap3A_975, %swap3A_976] {strides = array<i32>} : memref<8x128xf32, #tpu.memory_space<vmem>>, vector<16xf32>,
        tpu.vector_store %arg7[%swap3A_975, %swap3A_976], %select_n3A_965 {add = true, strides = array<i32>} : memref<8x128xf32, #tpu.memory_space<vmem>>, vector<16xf32>,
        %scan3A_978 = arith.constant 0 : i32
        scf.yield %scan3A_978 : i32
      }
      %scan3A_364 = arith.constant 32 : i32
    }
    %scan3A_296 = arith.constant 49 : i32
    "tpu.region"() ({
      %run_scoped3A = tpu.sem_alloc : memref<!tpu.dma_semaphore, #tpu.memory_space<semaphore_mem>>
      %dma_start3A_297 = arith.constant 0 : i32
      %dma_start3A_298 = arith.constant 0 : i32
      %dma_start3A_299 = tpu.memref_slice %arg4[%add3A, %dma_start3A_297, %dma_start3A_298] : memref<32x8x128xf32, #tpu.memory_space<hbm>> -> memref<1x8x128xf32, #tpu.memory_space<hbm>>
      %dma_start3A_300 = tpu.memref_squeeze %dma_start3A_299 : memref<1x8x128xf32, #tpu.memory_space<hbm>> -> memref<8x128xf32, #tpu.memory_space<hbm>>
      %dma_start3A_301 = arith.constant 0 : i32
      %dma_start3A_302 = arith.constant 0 : i32
      %dma_start3A_303 = tpu.memref_slice %arg4[%add3A, %dma_start3A_301, %dma_start3A_302] : memref<32x8x128xf32, #tpu.memory_space<hbm>> -> memref<1x8x128xf32, #tpu.memory_space<hbm>>
      %dma_start3A_304 = tpu.memref_squeeze %dma_start3A_303 : memref<1x8x128xf32, #tpu.memory_space<hbm>> -> memref<8x128xf32, #tpu.memory_space<hbm>>
      tpu.enqueue_dma source(%arg7 : memref<8x128xf32, #tpu.memory_space<vmem>>) target(%dma_start3A_304 : memref<8x128xf32, #tpu.memory_space<hbm>>) target_semaphore(%run_scoped3A : memref<!tpu.dma_semaphore, #tpu.memory_space<semaphore_mem>>)
      %dma_wait3A = arith.constant 0 : i32
      %dma_wait3A_305 = arith.constant 0 : i32
      %dma_wait3A_306 = tpu.memref_slice %arg4[%add3A, %dma_wait3A, %dma_wait3A_305] : memref<32x8x128xf32, #tpu.memory_space<hbm>> -> memref<1x8x128xf32, #tpu.memory_space<hbm>>
      %dma_wait3A_307 = tpu.memref_squeeze %dma_wait3A_306 : memref<1x8x128xf32, #tpu.memory_space<hbm>> -> memref<8x128xf32, #tpu.memory_space<hbm>>
      %dma_wait3A_308 = arith.constant 0 : i32
      %dma_wait3A_309 = arith.constant 0 : i32
      %dma_wait3A_310 = tpu.memref_slice %arg4[%add3A, %dma_wait3A_308, %dma_wait3A_309] : memref<32x8x128xf32, #tpu.memory_space<hbm>> -> memref<1x8x128xf32, #tpu.memory_space<hbm>>
      %dma_wait3A_311 = tpu.memref_squeeze %dma_wait3A_310 : memref<1x8x128xf32, #tpu.memory_space<hbm>> -> memref<8x128xf32, #tpu.memory_space<hbm>>
      tpu.wait_dma2 semaphore(%run_scoped3A : memref<!tpu.dma_semaphore, #tpu.memory_space<semaphore_mem>>) src(%arg7 : memref<8x128xf32, #tpu.memory_space<vmem>>) dst(%dma_wait3A_311 : memref<8x128xf32, #tpu.memory_space<hbm>>)
      tpu.yield
    }) : () -> ()
    return
  }
}

</mosaic_0001>

<sc_bundles>
// kernel: kernel.3.cloned.1.call-start
scs
__scs_entry_jumppad:
0x0: {  	(pc) =	sbr.rel $0x88, $3  }
0x1: {  	(tag) =	ssettag $0x0;
	lr =	simm.s32 $0x1  }
0x2: {  	[smem:$0x3F9F] =	sst lr;
	_ =	strace $0xD0000000  }
0x3: {  	_ = 	snop  }
0x4: {  	_ = 	snop  }
0x5: {  	_ = 	snop  }
0x6: {  	_ = 	snop  }
0x7: {  	_ = 	snop  }
__scs_overlays_trampoline_lowered:
0x8: {  	[smem:$0x3FAE] =	sst s0  }
0x9: {  	[smem:$0x3FAF] =	sst s1  }
0xa: {  	[smem:$0x3FB0] =	sst s2  }
0xb: {  	[smem:$0x3FB1] =	sst s3  }
0xc: {  	[smem:$0x3FB2] =	sst s4  }
0xd: {  	[smem:$0x3FB3] =	sst s5  }
0xe: {  	[smem:$0x3FB4] =	sst s6  }
0xf: {  	[smem:$0x3FB5] =	sst s7  }
0x10: {  	[smem:$0x3FB6] =	sst s8  }
0x11: {  	[smem:$0x3FB7] =	sst s9;
	s0 =	simm.s32 @!p0 $0x0  }
0x12: {  	s1 =	sld [smem:$0x3F9D];
	s0 =	simm.s32 @p0 $0x1  }
0x13: {  	[smem:$0x3FB8] =	sst s0;
	s0 =	simm.s32 @!p1 $0x0  }
0x14: {  	s2 =	sld [smem:$0x3F9C];
	s0 =	simm.s32 @p1 $0x1  }
0x15: {  	[smem:$0x3FB9] =	sst s0;
	s0 =	simm.s32 @!p2 $0x0  }
0x16: {  	s3 =	sld [smem:$0x3FDB];
	s0 =	simm.s32 @p2 $0x1  }
0x17: {  	s4 =	simm.s32 $0x1BF5;
	[smem:$0x3FBB] =	sst s0  }
0x18: {  	s0 =	sld [smem:$0x3F9E];
	_ =	swait.ge [sflag:s4], $0x0  }
0x19: {  	s7 =	sld [smem:$0x3F9F]  }
0x1a: {  	s8 =	sadd.s32 $0xFFFFE003, lr  }
0x1b: {  	s9 =	sadd.s32 $0xFFFFFEF7, lr;
	s5 =	simm.s32 $0xFFFFFFFF;
	p2 =	slt.u32 s8, $0xFFFFF086  }
0x1c: {  	p1 =	slt.u32 s9, $0xF7A;
	s5 =	simm.s32 @!p2 $0x0  }
0x1d: {  	s5 =	simm.s32 @p1 $0x1;
	p0 =	seq.s32 s7, s2  }
0x1e: {  	s7 =	smul.u32 @!p0 $0xF7A, s2;
	p2 =	seq.s32 @!p0 s5, $0x0  }
0x1f: {  	s9 =	smul.u32 $0xF7A, s1;
	s8 =	simm.s32 @!p0 $0x1BF5;
	p2 =	por !p2, p0  }
0x20: {  	[sflag:s8] =	ssyncset.s32 @!p0 $0xFFFFF086;
	s6 =	sadd.s32 @!p0 s3, s7;
	s7 =	simm.s32 @!p0 $0x108  }
0x21: {  	s3 =	sadd.s32 s3, s9;
	s6 =	sadd.s32 @!p0 $0x88, s6;
	s7 =	simm.s32 @p2 $0x1082  }
0x22: {  	[simem:s7], [sflag:s8] =	dma.local @!p0 [hbm:s6], $0xF7A  }
0x23: {  	s9 =	sor.u32 $0xD0000000, s2;
	s6 =	simm.s32 $0x108;
	_ =	swait.ge @!p0 [sflag:s8], $0x0  }
0x24: {  	s3 =	sadd.s32 $0x88, s3;
	s6 =	simm.s32 @!p1 $0x1082;
	[sflag:s4] =	ssyncset.s32 $0xFFFFF086  }
0x25: {  	[simem:s6], [sflag:s4] =	dma.local [hbm:s3], $0xF7A  }
0x26: {  	[smem:$0x3F9F] =	sst s1;
	(tag) =	ssettag s2;
	_ =	strace s9  }
0x27: {  	s1 =	sld [smem:$0x3FAF]  }
0x28: {  	s2 =	sld [smem:$0x3FB0]  }
0x29: {  	s4 =	sld [smem:$0x3FB2]  }
0x2a: {  	p0 =	seq.s32 s5, $0x0;
	s5 =	sld [smem:$0x3FB3]  }
0x2b: {  	s6 =	sld [smem:$0x3FB4]  }
0x2c: {  	s7 =	sld [smem:$0x3FB5]  }
0x2d: {  	s3 =	simm.s32 $0x108;
	s8 =	sld [smem:$0x3FB6]  }
0x2e: {  	s3 =	simm.s32 @!p0 $0x1082;
	s9 =	sld [smem:$0x3FB7]  }
0x2f: {  	lr =	sadd.s32 s0, s3;
	s0 =	sld [smem:$0x3FAE]  }
0x30: {  	s3 =	sld [smem:$0x3FB1]  }
0x31: {  	[smem:$0x3FBA] =	sst s10  }
0x32: {  	s10 =	sld [smem:$0x3FB8];
	_ =	sdelay $0x3  }
0x33: {  	p0 =	seq.s32 s10, $0x1;
	s10 =	sld [smem:$0x3FBA];
	_ =	sdelay $0x3  }
0x34: {  	[smem:$0x3FBA] =	sst s10  }
0x35: {  	s10 =	sld [smem:$0x3FB9];
	_ =	sdelay $0x3  }
0x36: {  	p1 =	seq.s32 s10, $0x1;
	s10 =	sld [smem:$0x3FBA];
	_ =	sdelay $0x3  }
0x37: {  	[smem:$0x3FBA] =	sst s10  }
0x38: {  	s10 =	sld [smem:$0x3FBB]  }
0x39: {  	_ = 	snop;
	(pc) =	sbr.ind lr, $3  }
0x3a: {  	_ = 	snop  }
0x3b: {  	_ = 	snop  }
0x3c: {  	p2 =	seq.s32 s10, $0x1;
	s10 =	sld [smem:$0x3FBA]  }
0x3d: {  	_ =	shalt  }
0x3e: {  	_ =	shalt  }
0x3f: {  	_ =	shalt  }
0x40: {  	_ =	shalt  }
0x41: {  	_ =	shalt  }
0x42: {  	_ =	shalt  }
0x43: {  	_ =	shalt  }
0x44: {  	_ =	shalt  }
0x45: {  	_ =	shalt  }
0x46: {  	_ =	shalt  }
0x47: {  	_ =	shalt  }
0x48: {  	_ =	shalt  }
0x49: {  	_ =	shalt  }
0x4a: {  	_ =	shalt  }
0x4b: {  	_ =	shalt  }
0x4c: {  	_ =	shalt  }
0x4d: {  	_ =	shalt  }
0x4e: {  	_ =	shalt  }
0x4f: {  	_ =	shalt  }
0x50: {  	_ =	shalt  }
0x51: {  	_ =	shalt  }
0x52: {  	_ =	shalt  }
0x53: {  	_ =	shalt  }
0x54: {  	_ =	shalt  }
0x55: {  	_ =	shalt  }
0x56: {  	_ =	shalt  }
0x57: {  	_ =	shalt  }
0x58: {  	_ =	shalt  }
0x59: {  	_ =	shalt  }
0x5a: {  	_ =	shalt  }
0x5b: {  	_ =	shalt  }
0x5c: {  	_ =	shalt  }
0x5d: {  	_ =	shalt  }
0x5e: {  	_ =	shalt  }
0x5f: {  	_ =	shalt  }
0x60: {  	_ =	shalt  }
0x61: {  	_ =	shalt  }
0x62: {  	_ =	shalt  }
0x63: {  	_ =	shalt  }
0x64: {  	_ =	shalt  }
0x65: {  	_ =	shalt  }
0x66: {  	_ =	shalt  }
0x67: {  	_ =	shalt  }
0x68: {  	_ =	shalt  }
0x69: {  	_ =	shalt  }
0x6a: {  	_ =	shalt  }
0x6b: {  	_ =	shalt  }
0x6c: {  	_ =	shalt  }
0x6d: {  	_ =	shalt  }
0x6e: {  	_ =	shalt  }
0x6f: {  	_ =	shalt  }
0x70: {  	_ =	shalt  }
0x71: {  	_ =	shalt  }
0x72: {  	_ =	shalt  }
0x73: {  	_ =	shalt  }
0x74: {  	_ =	shalt  }
0x75: {  	_ =	shalt  }
0x76: {  	_ =	shalt  }
0x77: {  	_ =	shalt  }
0x78: {  	_ =	shalt  }
0x79: {  	_ =	shalt  }
0x7a: {  	_ =	shalt  }
0x7b: {  	_ =	shalt  }
0x7c: {  	_ =	shalt  }
0x7d: {  	_ =	shalt  }
0x7e: {  	_ =	shalt  }
0x7f: {  	_ =	shalt  }
0x80: {  	_ =	shalt  }
0x81: {  	_ =	shalt  }
0x82: {  	_ =	shalt  }
0x83: {  	_ =	shalt  }
0x84: {  	_ =	shalt  }
0x85: {  	_ =	shalt  }
0x86: {  	_ =	shalt  }
0x87: {  	_ =	shalt  }
.Lfunc_end0:
.L_simem_size_0:
called_computation_lowered:
.L_overlay_start_0:
0x88: {  	s2 =	sld [smem:$0x3FD9]  }
0x89: {  	s3 =	sld [smem:$0x3FFE];
	_ =	sdelay $0x1  }
0x8a: {  	s1 =	srdreg.scid  }
0x8b: {  	s0 =	sand.u32 $0x1, s1  }
0x8c: {  	s17 =	sshll.u32 s0, $0xA;
	s2 =	sadd.s32 s3, s2  }
0x8d: {  	s2 =	sadd.s32 s2, s17  }
0x8e: {  	[smem:$0x3FC6] =	sst s2  }
0x8f: {  	_ = 	snop  }
0x90: {  	s2 =	sld [smem:$0x3FC9]  }
0x91: {  	s18 =	sld [smem:$0x3FC8];
	(tm) =	ssettm $0x1  }
0x92: {  	s4 =	sld [smem:$0x3FFB];
	_ =	sdelay $0x3  }
0x93: {  	_ =	strace s4  }
0x94: {  	s4 =	sld [smem:$0x3FFC];
	_ =	sdelay $0x3  }
0x95: {  	_ =	strace s4  }
0x96: {  	s4 =	sld [smem:$0x3FFD];
	_ =	sdelay $0x3  }
0x97: {  	_ =	strace s4  }
0x98: {  	_ =	strace $0x8FFFFFFF  }
0x99: {  	s19 =	sld [smem:$0x3FDB];
	_ =	sdelay $0x1  }
0x9a: {  	s5 =	simm.s32 $_scs_section_size  }
0x9b: {  	s6 =	simm.s32 $_size__tile_overlayer_lowered;
	s7 =	simm.s32 $_tile_overlayer_lowered  }
0x9c: {  	s22 =	simm.s32 $0x1BFF;
	s21 =	sshll.u32 s7, $0x1;
	s4 =	sadd.s32 s5, s19  }
0x9d: {  	s8 =	simm.s32 $0x0;
	s20 =	sshll.u32 s6, $0x1;
	s6 =	sadd.s32 s21, s4  }
0x9e: {  	[timem:s8], [sflag:s22] =	dma.local [hbm:s6], s20  }
0x9f: {  	_ =	swait.ge [sflag:s22], s20  }
0xa0: {  	s5 =	ssub.s32 $0x0, s20;
	[sflag:s22] =	ssyncset.done $0x0  }
0xa1: {  	[sflag:s22] =	ssyncadd.s32 s5;
	_ =	sdelay $0x1  }
0xa2: {  	s23 =	simm.s32 $0x1B8B  }
0xa3: {  	_ =	swait.ge [sflag:s23], $0x1  }
0xa4: {  	[sflag:s23] =	ssyncset.done $0x0  }
0xa5: {  	s25 =	simm.s32 $0x1B8E;
	s24 =	sld [smem:$0x3FFE];
	[sflag:s23] =	ssyncadd.s32 $0xFFFFFFFF  }
0xa6: {  	s26 =	simm.s32 $execute0_lowered;
	[smem:$0x3FD2] =	sst s25  }
0xa7: {  	s6 =	sshll.u32 s26, $0x1;
	_ =	strace $0x80000046;
	[dreg:$0x1] =	wrdreg $0xFFFFFFFF  }
0xa8: {  	s28 =	simm.s32 $_size_execute0_lowered;
	s4 =	sadd.s32 s4, s6;
	[dreg:$0x0] =	wrdreg $0x0  }
0xa9: {  	s6 =	sshll.u32 s28, $0x1;
	[dreg:$0x2] =	wrdreg s4  }
0xaa: {  	[dreg:$0x3] =	wrdreg s6  }
0xab: {  	[dreg:$0x4] =	wrdreg $0xC0  }
0xac: {  	_ =	task [dreg:s8], $0x5FFFF  }
0xad: {  	[dreg:$0x1] =	wrdreg $0xFFFFFFFF  }
0xae: {  	[dreg:$0x0] =	wrdreg $0x60  }
0xaf: {  	[dreg:$0x2] =	wrdreg s2  }
0xb0: {  	[dreg:$0x3] =	wrdreg s18  }
0xb1: {  	[dreg:$0x4] =	wrdreg s24  }
0xb2: {  	[dreg:$0x5] =	wrdreg $0x9  }
0xb3: {  	_ =	task.clear_ibuf [dreg:s8], $0x6FFFF;
	_ =	strace $0x90000046  }
0xb4: {  	s29 =	simm.s32 $0x9;
	_ =	strace $0x80000048  }
0xb5: {  	_ =	swait.ge [sflag:s29], $0x1  }
0xb6: {  	[sflag:s29] =	ssyncadd.s32 $0xFFFFFFFF  }
0xb7: {  	_ =	strace $0x90000048  }
0xb8: {  	_ =	sfence  }
0xb9: {  	s30 =	sld [smem:$0x0];
	_ =	sdelay $0x2  }
0xba: {  	s31 =	sshll.u32 s1, $0xD;
	s1 =	sshrl.u32 s1, $0x2  }
0xbb: {  	s3 =	sand.u32 $0x4000, s31;
	s1 =	sadd.s32 s1, s30  }
0xbc: {  	s0 =	sor.u32 s3, s0;
	s1 =	sshll.u32 s1, $0x11  }
0xbd: {  	s0 =	sor.u32 s1, s0  }
0xbe: {  	s0 =	sadd.s32 $0x8F2B, s0  }
0xbf: {  	[sflag:s0] =	ssyncadd.remote.s32 $0x1  }
0xc0: {  	_ =	sfence.sel $0xFFFF  }
0xc1: {  	[dreg:$0x0] =	wrdreg $0xFFFFFFFF;
	(pc) =	sbr.abs _section_cstart, $3  }
0xc2: {  	[dreg:$0x1] =	wrdreg $0xFFFFFFFF  }
0xc3: {  	_ =	task.clear_ibuf [dreg:s8], $0x2FFFF;
	_ =	strace $0x9FFFFFFF  }
0xc4: {  	(tm) =	ssettm $0x7FFFFFFF  }
0xc5: {  	_ =	shalt  }
tec
execute0_lowered:
.L_overlay_start_1:
0x0: {  	(tag) =	ssettag $0x1  }
0x1: {  	s1 =	rddreg [dreg:$0x0]  }
0x2: {  	s3 =	rddreg [dreg:$0x1]  }
0x3: {  	s5 =	rddreg [dreg:$0x2]  }
0x4: {  	s0 =	rddreg [dreg:$0x3];
	s6 =	srdreg.scid  }
0x5: {  	s2 =	stileid.u32;
	s4 =	simm.s32 $0x0;
	s11 =	simm.s32 $0x20000  }
0x6: {  	s12 =	simm.s32 $0x8000;
	s13 =	simm.s32 $0x1;
	s14 =	simm.s32 $0x2  }
0x7: {  	s16 =	simm.s32 $0x10080;
	s15 =	simm.s32 $0x10000;
	s31 =	simm.s32 $0x10100  }
0x8: {  	s17 =	simm.s32 $0x0;
	s6 =	sand.u32 $0x1, s6;
	[smem:$0x7FF] =	sst s4  }
0x9: {  	s7 =	sshll.u32 s2, $0x1;
	_ =	strace $0x80000047;
	[dreg:$0x4] =	wrdreg s16  }
0xa: {  	s7 =	sor.u32 s6, s7;
	s6 =	ssub.s32 $0x2, s6;
	[dreg:$0x5] =	wrdreg s31  }
0xb: {  	s16 =	simm.s32 $0x3;
	s8 =	sshll.u32 s7, $0x7;
	s30 =	sshrl.u32 s6, $0x1  }
0xc: {  	s9 =	sshll.u32 s7, $0x9;
	s8 =	sadd.s32 s8, s5;
	s10 =	ssub.s32 s6, s30  }
0xd: {  	s5 =	sshll.u32 s7, $0xC;
	s6 =	sadd.s32 s1, s9;
	s7 =	sadd.s32 s3, s9  }
0xe: {  	v0 =	vimm.f32 $0.0e+00;
	s8 =	sadd.s32 $0x200, s8;
	s9 =	smax.u32 s10, $0x1;
	s10 =	simm.s32 $0x1000  }
.LBB2_1:
0xf: {  	[tilespmem:$0x10000] =	vst v0  }
0x10: {  	[tilespmem:$0x10010] =	vst v0  }
0x11: {  	[tilespmem:$0x10020] =	vst v0  }
0x12: {  	[tilespmem:$0x10030] =	vst v0  }
0x13: {  	[tilespmem:$0x10040] =	vst v0  }
0x14: {  	[tilespmem:$0x10050] =	vst v0  }
0x15: {  	[tilespmem:$0x10060] =	vst v0  }
0x16: {  	[tilespmem:$0x10070] =	vst v0  }
0x17: {  	[tilespmem:$0x10080] =	vst v0  }
0x18: {  	[tilespmem:$0x10090] =	vst v0  }
0x19: {  	[tilespmem:$0x100A0] =	vst v0  }
0x1a: {  	[tilespmem:$0x100B0] =	vst v0  }
0x1b: {  	[tilespmem:$0x100C0] =	vst v0  }
0x1c: {  	[tilespmem:$0x100D0] =	vst v0  }
0x1d: {  	[tilespmem:$0x100E0] =	vst v0  }
0x1e: {  	[tilespmem:$0x100F0] =	vst v0  }
0x1f: {  	[tilespmem:$0x10100] =	vst v0  }
0x20: {  	[tilespmem:$0x10110] =	vst v0  }
0x21: {  	[tilespmem:$0x10120] =	vst v0  }
0x22: {  	[tilespmem:$0x10130] =	vst v0  }
0x23: {  	[tilespmem:$0x10140] =	vst v0  }
0x24: {  	[tilespmem:$0x10150] =	vst v0  }
0x25: {  	[tilespmem:$0x10160] =	vst v0  }
0x26: {  	[tilespmem:$0x10170] =	vst v0  }
0x27: {  	[tilespmem:$0x10180] =	vst v0  }
0x28: {  	[tilespmem:$0x10190] =	vst v0  }
0x29: {  	[tilespmem:$0x101A0] =	vst v0  }
0x2a: {  	[tilespmem:$0x101B0] =	vst v0  }
0x2b: {  	[tilespmem:$0x101C0] =	vst v0  }
0x2c: {  	[tilespmem:$0x101D0] =	vst v0  }
0x2d: {  	[tilespmem:$0x101E0] =	vst v0  }
0x2e: {  	[tilespmem:$0x101F0] =	vst v0  }
0x2f: {  	[tilespmem:$0x10200] =	vst v0  }
0x30: {  	[tilespmem:$0x10210] =	vst v0  }
0x31: {  	[tilespmem:$0x10220] =	vst v0  }
0x32: {  	[tilespmem:$0x10230] =	vst v0  }
0x33: {  	[tilespmem:$0x10240] =	vst v0  }
0x34: {  	[tilespmem:$0x10250] =	vst v0  }
0x35: {  	[tilespmem:$0x10260] =	vst v0  }
0x36: {  	[tilespmem:$0x10270] =	vst v0  }
0x37: {  	[tilespmem:$0x10280] =	vst v0  }
0x38: {  	[tilespmem:$0x10290] =	vst v0  }
0x39: {  	[tilespmem:$0x102A0] =	vst v0  }
0x3a: {  	[tilespmem:$0x102B0] =	vst v0  }
0x3b: {  	[tilespmem:$0x102C0] =	vst v0  }
0x3c: {  	[tilespmem:$0x102D0] =	vst v0  }
0x3d: {  	[tilespmem:$0x102E0] =	vst v0  }
0x3e: {  	[tilespmem:$0x102F0] =	vst v0  }
0x3f: {  	[tilespmem:$0x10300] =	vst v0  }
0x40: {  	[tilespmem:$0x10310] =	vst v0  }
0x41: {  	[tilespmem:$0x10320] =	vst v0  }
0x42: {  	[tilespmem:$0x10330] =	vst v0  }
0x43: {  	[tilespmem:$0x10340] =	vst v0  }
0x44: {  	[tilespmem:$0x10350] =	vst v0  }
0x45: {  	[tilespmem:$0x10360] =	vst v0  }
0x46: {  	[tilespmem:$0x10370] =	vst v0  }
0x47: {  	[tilespmem:$0x10380] =	vst v0  }
0x48: {  	[tilespmem:$0x10390] =	vst v0  }
0x49: {  	[tilespmem:$0x103A0] =	vst v0  }
0x4a: {  	[tilespmem:$0x103B0] =	vst v0  }
0x4b: {  	[tilespmem:$0x103C0] =	vst v0  }
0x4c: {  	[tilespmem:$0x103D0] =	vst v0  }
0x4d: {  	[tilespmem:$0x103E0] =	vst v0  }
0x4e: {  	[tilespmem:$0x103F0] =	vst v0  }
0x4f: {  	[tilespmem:s4], [sflag:$0x1] =	stream.strided.gather [hbm4b:s6+s10], $0x4000, s11, s10, $0x38;
	[tilespmem:$0x10400] =	vst v63  }
0x50: {  	s18 =	simm.s32 $0x0  }
0x51: {  	[tilespmem:s12], [sflag:$0x2] =	stream.strided.gather [hbm4b:s7+s10], $0x4000, s11, s10, $0x38;
	[tilespmem:$0x10400] =	vst v63  }
.LBB2_3:
0x52: {  	s20 =	smov.u32 s18  }
0x53: {  	s18 =	sadd.s32 $0x1, s18;
	p0 =	seq.s32 s20, $0x30  }
0x54: {  	s19 =	smul.u32 @!p0 $0x25, s18;
	_ =	sdelay $0x1  }
0x55: {  	s19 =	sshrl.u32 @!p0 s19, $0x8  }
0x56: {  	s21 =	ssub.s32 @!p0 s18, s19  }
0x57: {  	s21 =	sand.u32 @!p0 $0xFE, s21  }
0x58: {  	s21 =	sshrl.u32 @!p0 s21, $0x1  }
0x59: {  	s19 =	sadd.s32 @!p0 s19, s21  }
0x5a: {  	s19 =	sand.u32 @!p0 $0xFC, s19  }
0x5b: {  	s19 =	sshrl.u32 @!p0 s19, $0x2  }
0x5c: {  	s21 =	smul.u32 @!p0 $0xFFFFFFF9, s19;
	_ =	sdelay $0x1  }
0x5d: {  	s19 =	smul.u32 @!p0 $0x380000, s19;
	s21 =	sadd.s32 @!p0 s18, s21  }
0x5e: {  	s21 =	sshll.u32 @!p0 s21, $0x13  }
0x5f: {  	s28 =	smul.u32 $0x25, s20;
	s19 =	sadd.s32 @!p0 s19, s21  }
0x60: {  	s24 =	simm.s32 @!p0 $0x1000;
	s21 =	sshll.u32 @!p0 s20, $0xE;
	s22 =	sor.u32 @!p0 s5, s19  }
0x61: {  	s25 =	simm.s32 @!p0 $0x20000;
	s19 =	sand.u32 @!p0 $0x4000, s21;
	s22 =	sshrl.u32 @!p0 s22, $0x3  }
0x62: {  	s29 =	sshrl.u32 s28, $0x8;
	s21 =	sxor.u32 @!p0 $0x4000, s19;
	s23 =	sadd.s32 @!p0 s1, s22  }
0x63: {  	[tilespmem:s21], [sflag:$0x1] =	stream.strided.gather @!p0 [hbm4b:s23+s24], $0x4000, s25, s24, $0x38;
	[tilespmem:$0x10400] =	vst v63  }
0x64: {  	s30 =	ssub.s32 s20, s29;
	s22 =	sadd.s32 @!p0 s3, s22;
	s21 =	sxor.u32 @!p0 $0xC000, s19  }
0x65: {  	[tilespmem:s21], [sflag:$0x2] =	stream.strided.gather @!p0 [hbm4b:s22+s24], $0x4000, s25, s24, $0x38;
	[tilespmem:$0x10400] =	vst v63  }
0x66: {  	s22 =	sand.u32 $0xFE, s30  }
0x67: {  	s22 =	sshrl.u32 s22, $0x1  }
0x68: {  	s21 =	sadd.s32 s29, s22  }
0x69: {  	s21 =	sand.u32 $0xFC, s21  }
0x6a: {  	s21 =	sshrl.u32 s21, $0x2  }
0x6b: {  	_ =	swait.ge [sflag:s13], $0x4000;
	s31 =	smul.u32 $0xFFFFFFF9, s21  }
0x6c: {  	[sflag:s13] =	ssyncset.done $0x0  }
0x6d: {  	[sflag:s13] =	ssyncadd.s32 $0xFFFFC000;
	s20 =	sadd.s32 s20, s31  }
0x6e: {  	_ =	swait.ge [sflag:s14], $0x4000;
	s21 =	scvt.s32.f32 s21;
	s20 =	scvt.s32.f32 s20  }
0x6f: {  	s19 =	simm.s32 @p0 $0x0;
	[sflag:s14] =	ssyncset.done $0x0  }
0x70: {  	[sflag:s14] =	ssyncadd.s32 $0xFFFFC000;
	v2 =	vmov s21;
	s21 =	simm.s32 $0x0;
	v1 =	vmov s20;
	s20 =	simm.s32 $0x0  }
.LBB2_4:
0x71: {  	s23 =	sand.u32 $0xC00, s20  }
0x72: {  	s22 =	sand.u32 $0x70, s21;
	s23 =	sor.u32 s19, s23  }
0x73: {  	s24 =	sor.u32 s22, s23  }
0x74: {  	s25 =	sand.u32 $0xFFFFFC00, s20;
	v10 =	vld [tilespmem:s24+$0x0]  }
0x75: {  	s25 =	sadd.s32 s25, s19;
	v16 =	vld [tilespmem:s24+$0x8000];
	s26 =	sor.u32 $0x8080, s24  }
0x76: {  	s25 =	sadd.s32 s25, s21;
	s29 =	sor.u32 $0x8100, s24;
	v13 =	vld [tilespmem:s26+$0x0]  }
0x77: {  	s30 =	sor.u32 $0x180, s25;
	v7 =	vld [tilespmem:s29+$0x0]  }
0x78: {  	s31 =	sor.u32 $0x100, s24;
	v17 =	vld [tilespmem:s30+$0x8000]  }
0x79: {  	s28 =	sor.u32 $0x80, s24;
	v8 =	vld [tilespmem:s31+$0x0]  }
0x7a: {  	v18 =	vld [tilespmem:s28+$0x0]  }
0x7b: {  	v19 =	vld [tilespmem:s30+$0x0]  }
0x7c: {  	s26 =	sor.u32 $0x380, s25;
	v3 =	vadd.f32 v16, v1;
	v12 =	vadd.f32 v10, v1  }
0x7d: {  	s28 =	sor.u32 $0x280, s24;
	v15 =	vld [tilespmem:s26+$0x0];
	v4 =	vadd.f32 v13, v2;
	v6 =	vmul.f32 $5.000000000e-01, v7;
	v11 =	vmul.f32 $5.000000000e-01, v17  }
0x7e: {  	s29 =	sor.u32 $0x300, s24;
	v22 =	vmul.f32 $5.000000000e-01, v8;
	v5 =	vmul.f32 $1.428571490e-01, v3;
	v3 =	vld [tilespmem:s28+$0x0]  }
0x7f: {  	v14 =	vadd.f32 v18, v2;
	v12 =	vmul.f32 $1.428571490e-01, v12;
	v9 =	vmul.f32 $1.428571490e-01, v4;
	v4 =	vld [tilespmem:s29+$0x0]  }
0x80: {  	s30 =	sor.u32 $0x1000, s24;
	v38 =	vmul.f32 $5.000000000e-01, v19;
	v20 =	vsub.f32 v5, v6;
	v23 =	vadd.f32 v6, v5  }
0x81: {  	v37 =	vmul.f32 $1.428571490e-01, v14;
	v14 =	vld [tilespmem:s30+$0x0];
	v25 =	vsub.f32 v12, v22;
	v39 =	vadd.f32 v22, v12  }
0x82: {  	v31 =	vmul.f32 v17, v7;
	v21 =	vsub.f32 v9, v11;
	v24 =	vadd.f32 v11, v9  }
0x83: {  	v34 =	vmul.f32 v19, v8;
	v26 =	vsub.f32 v37, v38;
	v40 =	vadd.f32 v3, v1  }
0x84: {  	v29 =	vmul.f32 $5.000000000e-01, v15;
	v42 =	vadd.f32 v38, v37;
	v41 =	vadd.f32 v4, v2  }
0x85: {  	v43 =	vmax.f32 v25, v20;
	v27 =	vmin.f32 v39, v23;
	v11 =	vmul.f32 $1.428571490e-01, v40  }
0x86: {  	v27 =	vsub.f32 v27, v43;
	v30 =	vmul.f32 $5.000000000e-01, v14;
	v12 =	vmul.f32 $1.428571490e-01, v41  }
0x87: {  	v44 =	vmax.f32 v26, v21;
	v5 =	vsub.f32 v11, v29;
	v29 =	vadd.f32 v29, v11  }
0x88: {  	v28 =	vmin.f32 v42, v24;
	v6 =	vsub.f32 v12, v30;
	v30 =	vadd.f32 v30, v12  }
0x89: {  	v28 =	vsub.f32 v28, v44;
	v45 =	vmax.f32 v27, $0.0e+00;
	v47 =	vmax.f32 v5, v20  }
0x8a: {  	v32 =	vmin.f32 v29, v23;
	v48 =	vmax.f32 v6, v21;
	v33 =	vmin.f32 v30, v24  }
0x8b: {  	v46 =	vmax.f32 v28, $0.0e+00;
	v27 =	vsub.f32 v32, v47;
	v28 =	vsub.f32 v33, v48  }
0x8c: {  	v51 =	vadd.f32 v31, v34;
	v50 =	vmul.f32 v14, v15  }
0x8d: {  	v49 =	vmul.f32 v46, v45;
	v27 =	vmax.f32 v27, $0.0e+00;
	v28 =	vmax.f32 v28, $0.0e+00  }
0x8e: {  	s28 =	sor.u32 $0x1100, s24;
	v11 =	vadd.f32 v50, v31;
	v27 =	vmul.f32 v28, v27  }
0x8f: {  	s31 =	sor.u32 $0x9080, s24;
	v58 =	vld [tilespmem:s28+$0x0];
	v52 =	vsub.f32 v51, v49  }
0x90: {  	s29 =	sor.u32 $0x200, s24;
	v12 =	vld [tilespmem:s31+$0x0];
	v11 =	vsub.f32 v11, v27  }
0x91: {  	s30 =	sor.u32 $0x8200, s24;
	v53 =	vld [tilespmem:s29+$0x0];
	(erf) = vrcp.f32 v52  }
0x92: {  	v54 =	vld [tilespmem:s30+$0x0];
	s29 =	sor.u32 $0x8300, s24;
	(erf) = vrcp.f32 v11  }
0x93: {  	v9 =	vld [tilespmem:s29+$0x0];
	s29 =	sor.u32 $0x9100, s24  }
0x94: {  	v59 =	vld [tilespmem:s29+$0x0];
	s29 =	sor.u32 $0x9200, s24  }
0x95: {  	v62 =	vld [tilespmem:s29+$0x0];
	s29 =	sor.u32 $0x1300, s24;
	vm0 =	vgt.f32 v12, $0.0e+00  }
0x96: {  	v43 =	vld [tilespmem:s29+$0x0];
	vm0 =	vmneg vm0  }
0x97: {  	s28 =	sadd.s32 $0x1000, s25;
	s30 =	sor.u32 $0x9000, s24;
	v55 =	vsel vm0, v8, v39;
	v8 =	vld [tilespmem:s26+$0x8000]  }
0x98: {  	v23 =	vsel vm0, v7, v23;
	v7 =	vld [tilespmem:s30+$0x0];
	s30 =	sor.u32 $0x180, s28  }
0x99: {  	v56 =	vmul.f32 v55, v23;
	v39 =	vld [tilespmem:s30+$0x0]  }
0x9a: {  	vm2 =	vgt.f32 v54, $0.0e+00;
	v41 =	vsub.f32 v58, v59;
	v19 =	vsel vm0, v19, v42;
	v60 =	vld [tilespmem:s30+$0x8000];
	s30 =	sor.u32 $0x1280, s24;
	v35 =	vpop (erf)  }
0x9b: {  	s31 =	sor.u32 $0x8280, s24;
	v17 =	vsel vm0, v17, v24;
	v25 =	vsel vm0, v10, v25;
	v63 =	vld [tilespmem:s30+$0x0];
	v37 =	vshrl.u32 v56, $0x1;
	v36 =	vpop (erf)  }
0x9c: {  	s30 =	sor.u32 $0x9300, s24;
	v11 =	vld [tilespmem:s31+$0x0];
	v57 =	vadd.s32 $0x1FBD1DF5, v37;
	v32 =	vmul.f32 v35, v49;
	v27 =	vmul.f32 v36, v27  }
0x9d: {  	v18 =	vsel vm0, v18, v26;
	v16 =	vsel vm0, v16, v20;
	s31 =	sor.u32 $0x1080, s24;
	v44 =	vld [tilespmem:s30+$0x0];
	(erf) = vrcp.f32 v57  }
0x9e: {  	v13 =	vsel vm0, v13, v21;
	v15 =	vsel vm0, v15, v29;
	v36 =	vld [tilespmem:s31+$0x0];
	s31 =	sor.u32 $0x1200, s24;
	vm1 =	vgt.f32 v27, v32  }
0x9f: {  	v14 =	vsel vm0, v14, v30;
	s30 =	sor.u32 $0x2080, s24;
	v61 =	vld [tilespmem:s31+$0x0];
	v27 =	vmax.f32 v32, v27;
	vm3 =	vmneg vm1  }
0xa0: {  	v3 =	vsel vm0, v3, v5;
	v4 =	vsel vm0, v4, v6;
	v51 =	vld [tilespmem:s30+$0x0];
	s31 =	sor.u32 $0x9280, s24;
	v38 =	vnsel vm3, $0x0, v27  }
0xa1: {  	s29 =	sor.u32 $0xA000, s24;
	v16 =	vsub.f32 v25, v16;
	v22 =	vsub.f32 v39, v60;
	v40 =	vld [tilespmem:s31+$0x0];
	v28 =	vsel vm0, v53, v38  }
0xa2: {  	v26 =	vmul.f32 v19, v17;
	v18 =	vsub.f32 v18, v13;
	v49 =	vld [tilespmem:s29+$0x0];
	s31 =	sor.u32 $0x380, s28;
	v28 =	vsub.f32 v28, v54  }
0xa3: {  	v23 =	vadd.f32 v55, v23;
	v17 =	vadd.f32 v19, v17;
	v22 =	vmul.f32 v22, v22;
	v45 =	vld [tilespmem:s31+$0x0]  }
0xa4: {  	s28 =	sor.u32 $0x2000, s24;
	v46 =	vld [tilespmem:s31+$0x8000];
	v24 =	vsub.f32 v61, v62;
	v10 =	vmul.f32 v28, v28;
	v28 =	vmul.f32 v41, v41  }
0xa5: {  	v4 =	vsub.f32 v4, v9;
	v34 =	vmul.f32 v14, v7;
	v47 =	vld [tilespmem:s28+$0x0];
	s31 =	sor.u32 $0xA080, s24;
	v38 =	vshrl.u32 v26, $0x1  }
0xa6: {  	s28 =	sor.u32 $0x2100, s24;
	v52 =	vld [tilespmem:s31+$0x0];
	v20 =	vsub.f32 v63, v40;
	v42 =	vpop (erf);
	v24 =	vmul.f32 v24, v24;
	v22 =	vadd.f32 v22, v28  }
0xa7: {  	s25 =	sadd.s32 $0x2000, s25;
	v50 =	vsub.f32 v43, v44;
	v55 =	vld [tilespmem:s28+$0x0];
	s28 =	sor.u32 $0xA200, s24;
	v21 =	vadd.s32 $0x1FBD1DF5, v38;
	v32 =	vmul.f32 v42, v56  }
0xa8: {  	s30 =	sor.u32 $0x180, s25;
	v44 =	vld [tilespmem:s28+$0x0];
	(erf) = vrcp.f32 v21;
	v20 =	vmul.f32 v20, v20;
	v22 =	vadd.f32 v24, v22  }
0xa9: {  	v16 =	vmul.f32 v16, v16;
	v53 =	vmul.f32 v50, v50;
	v61 =	vld [tilespmem:s30+$0x0];
	v32 =	vadd.f32 v57, v32  }
0xaa: {  	s23 =	sor.u32 $0x3000, s23;
	s29 =	sor.u32 $0xA100, s24;
	v62 =	vshrl.u32 v34, $0x1;
	v63 =	vld [tilespmem:s30+$0x8000];
	v54 =	vsub.f32 v45, v46;
	v20 =	vadd.f32 v20, v22  }
0xab: {  	s22 =	sor.u32 s22, s23;
	v30 =	vmul.f32 v15, v8;
	v43 =	vadd.s32 $0x1FBD1DF5, v62;
	v57 =	vld [tilespmem:s29+$0x0];
	v48 =	vmul.f32 $5.000000000e-01, v32  }
0xac: {  	s31 =	sor.u32 $0x2200, s24;
	v62 =	vld [tilespmem:s22+$0x8000];
	v60 =	vsub.f32 v47, v49;
	v59 =	vmul.f32 v54, v54;
	v20 =	vadd.f32 v53, v20  }
0xad: {  	v18 =	vmul.f32 v18, v18;
	v41 =	vsub.f32 v51, v52;
	v42 =	vld [tilespmem:s31+$0x0];
	s31 =	sor.u32 $0x2300, s24;
	v28 =	vadd.f32 v48, v48  }
0xae: {  	v56 =	vshrl.u32 v30, $0x1;
	v40 =	vmul.f32 v60, v60;
	v51 =	vld [tilespmem:s31+$0x0];
	s31 =	sor.u32 $0x100, s22;
	v20 =	vadd.f32 v59, v20  }
0xaf: {  	s29 =	sor.u32 $0x2280, s24;
	v45 =	vmul.f32 v41, v41;
	v39 =	vld [tilespmem:s31+$0x0];
	v23 =	vsub.f32 v23, v28;
	v28 =	vadd.s32 $0x1FBD1DF5, v56  }
0xb0: {  	s30 =	sor.u32 $0xA280, s24;
	v47 =	vld [tilespmem:s29+$0x0];
	v46 =	vsub.f32 v55, v57;
	(erf) = vrcp.f32 v28;
	v20 =	vadd.f32 v40, v20  }
0xb1: {  	v16 =	vadd.f32 v18, v16;
	v8 =	vadd.f32 v15, v8;
	s24 =	sor.u32 $0xA300, s24;
	v48 =	vld [tilespmem:s30+$0x0];
	v58 =	vpop (erf);
	(erf) = vrcp.f32 v43  }
0xb2: {  	v50 =	vsub.f32 v61, v63;
	v54 =	vld [tilespmem:s24+$0x0];
	v49 =	vmul.f32 v46, v46;
	v20 =	vadd.f32 v45, v20  }
0xb3: {  	v4 =	vmul.f32 v4, v4;
	v7 =	vadd.f32 v14, v7;
	v3 =	vsub.f32 v3, v11;
	s28 =	sor.u32 $0x380, s25;
	v61 =	vld [tilespmem:s22+$0x0]  }
0xb4: {  	v55 =	vmul.f32 v50, v50;
	v57 =	vld [tilespmem:s28+$0x0];
	v56 =	vsub.f32 v42, v44;
	v20 =	vadd.f32 v49, v20  }
0xb5: {  	v3 =	vmul.f32 v3, v3;
	v27 =	vsel vm3, $0x0, v27;
	s25 =	sor.u32 $0x8100, s22;
	v26 =	vmul.f32 v58, v26;
	v58 =	vld [tilespmem:s28+$0x8000]  }
0xb6: {  	v41 =	vld [tilespmem:s25+$0x0];
	s29 =	sor.u32 $0x80, s22;
	v59 =	vmul.f32 v56, v56;
	v60 =	vsub.f32 v47, v48;
	v20 =	vadd.f32 v55, v20  }
0xb7: {  	s23 =	sor.u32 s23, s21;
	v3 =	vadd.f32 v4, v3;
	vm1 =	vmor vm0, vm3;
	v33 =	vld [tilespmem:s29+$0x0];
	s30 =	sor.u32 $0x8080, s22;
	v53 =	vsel vm0, v36, v27  }
0xb8: {  	s23 =	sor.u32 $0x180, s23;
	v36 =	vld [tilespmem:s30+$0x0];
	v32 =	vsub.f32 v51, v54;
	v31 =	vmul.f32 v60, v60;
	v20 =	vadd.f32 v59, v20  }
0xb9: {  	vm2 =	vmand vm2, vm1;
	v12 =	vsub.f32 v53, v12;
	v18 =	vsub.f32 v61, v62;
	v42 =	vld [tilespmem:s23+$0x0];
	v63 =	vpop (erf)  }
0xba: {  	v44 =	vld [tilespmem:s23+$0x8000];
	v38 =	vmul.f32 v32, v32;
	v19 =	vsub.f32 v57, v58;
	v37 =	vpop (erf);
	v20 =	vadd.f32 v31, v20  }
0xbb: {  	v21 =	vadd.f32 v21, v26;
	v35 =	vmul.f32 v63, v30;
	v40 =	vmul.f32 v37, v34  }
0xbc: {  	v47 =	vsub.f32 v39, v41;
	v19 =	vmul.f32 v19, v19;
	v20 =	vadd.f32 v38, v20  }
0xbd: {  	s28 =	sor.u32 $0x8200, s22;
	v18 =	vmul.f32 v18, v18;
	v5 =	vadd.f32 v28, v35;
	v43 =	vadd.f32 v43, v40  }
0xbe: {  	s26 =	sor.u32 $0x200, s22;
	v46 =	vld [tilespmem:s28+$0x0];
	v6 =	vsub.f32 v33, v36;
	v21 =	vmul.f32 $5.000000000e-01, v21;
	v19 =	vadd.f32 v19, v20  }
0xbf: {  	s29 =	sor.u32 $0x280, s22;
	v45 =	vld [tilespmem:s26+$0x0];
	v11 =	vsub.f32 v42, v44;
	v5 =	vmul.f32 $5.000000000e-01, v5;
	v9 =	vmul.f32 $5.000000000e-01, v43  }
0xc0: {  	s22 =	sor.u32 $0x8280, s22;
	v48 =	vld [tilespmem:s29+$0x0];
	v6 =	vmul.f32 v6, v6;
	v52 =	vadd.f32 v21, v21;
	v18 =	vadd.f32 v18, v19  }
0xc1: {  	v13 =	vmul.f32 $5.000000000e-01, v10;
	v49 =	vld [tilespmem:s22+$0x0];
	v5 =	vadd.f32 v5, v5;
	v9 =	vadd.f32 v9, v9  }
0xc2: {  	v50 =	vmul.f32 v47, v47;
	v17 =	vsub.f32 v17, v52;
	v6 =	vadd.f32 v6, v18  }
0xc3: {  	v12 =	vmul.f32 v12, v12;
	v5 =	vsub.f32 v8, v5;
	v7 =	vsub.f32 v7, v9  }
0xc4: {  	v51 =	vmul.f32 v11, v11;
	v52 =	vsub.f32 v45, v46;
	v6 =	vadd.f32 v50, v6  }
0xc5: {  	v53 =	vmul.f32 $5.000000000e-01, v12;
	v17 =	vadd.f32 v17, v23;
	v54 =	vadd.f32 v7, v5  }
0xc6: {  	v56 =	vmul.f32 v52, v52;
	v57 =	vsub.f32 v48, v49;
	v55 =	vadd.f32 v51, v6  }
0xc7: {  	v58 =	vsel vm2, v10, v13;
	v59 =	vadd.f32 v17, v16;
	v3 =	vadd.f32 v54, v3  }
0xc8: {  	p0 =	seq.s32 s21, $0x1F0;
	v60 =	vsel vm1, v53, v12;
	v61 =	vmul.f32 v57, v57;
	v5 =	vadd.f32 v56, v55  }
.Ltmp0:
0xc9: {  	v4 =	vadd.f32 v60, v58;
	v62 =	vnsel vm2, $0x0, v59;
	v3 =	vsel vm1, $0x0, v3;
	(pc) =	sbr.rel @!p0 .LBB2_4-.Ltmp0, $4  }
0xca: {  	v3 =	vadd.f32 v3, v62;
	v5 =	vadd.f32 v61, v5  }
0xcb: {  	s30 =	rddreg [dreg:$0x4];
	[tilespmem:s15+$0x0] =	vst.add.f32.msk $0xffff, v4  }
0xcc: {  	s31 =	rddreg [dreg:$0x5];
	[tilespmem:s30+$0x0] =	vst.add.f32.msk $0xffff, v3;
	v63 =	vsel vm0, $0x0, v5  }
0xcd: {  	s20 =	sadd.s32 $0x80, s20;
	s21 =	sadd.s32 $0x10, s21;
	[tilespmem:s31+$0x0] =	vst.add.f32.msk $0xffff, v63  }
0xce: {  	p0 =	seq.s32 s18, $0x31  }
.Ltmp1:
0xcf: {  	_ = 	snop;
	(pc) =	sbr.rel @!p0 .LBB2_3-.Ltmp1, $1  }
0xd0: {  	_ =	sdelay $0x3  }
0xd1: {  	s17 =	sadd.s32 $0x1, s17  }
0xd2: {  	p0 =	sne.s32 s17, s9  }
.Ltmp2:
0xd3: {  	_ = 	snop;
	(pc) =	sbr.rel @p0 .LBB2_1-.Ltmp2, $4  }
0xd4: {  	[hbm4b:s8+s4] =	stream.linear.scatter [tilespmem:s15], [sflag:$0x3], $0x400, $0x38;
	[tilespmem:$0x10400] =	vst v63  }
0xd5: {  	_ =	swait.ge [sflag:s16], $0x400  }
0xd6: {  	[sflag:s16] =	ssyncset.done $0x0  }
0xd7: {  	[sflag:s16] =	ssyncadd.s32 $0xFFFFFC00  }
0xd8: {  	_ =	sfence.sel $0x180000  }
0xd9: {  	[bflag:$0x0] =	sbarrier.arrive $0xFFFF  }
0xda: {  	p0 =	sne.s32 s2, $0x0;
	_ =	strace $0x90000047  }
0xdb: {  	s0 =	sadd.s32 @!p0 $0x100000, s0;
	[bflag:$0x2] =	sbarrier.arrive $0xFFFF  }
0xdc: {  	[sflag:s0] =	ssyncadd.tile.s32 @!p0 $0x1;
	_ =	shalt  }
.Lfunc_end2:
_tile_overlayer_lowered:
.L_overlay_start_2:
0xdd: {  	(tag) =	ssettag $0x2  }
0xde: {  	s0 =	rddreg [dreg:$0x0];
	s2 =	stileid.u32  }
0xdf: {  	s1 =	rddreg [dreg:$0x1];
	p0 =	sne.s32 s2, $0x0  }
0xe0: {  	s3 =	rddreg [dreg:$0x2];
	[bflag:$0x3] =	sbarrier.arrive $0xFFFF;
	s2 =	simm.s32 @!p0 $0x1C03  }
0xe1: {  	[timem:s3], [sflag:s2] =	dma.local @!p0 [hbm:s0], s1  }
0xe2: {  	s0 =	simm.s32 @!p0 $0x3  }
0xe3: {  	_ =	swait.ge @!p0 [sflag:s0], s1  }
0xe4: {  	s1 =	ssub.s32 @!p0 $0x0, s1;
	[sflag:s0] =	ssyncset.done @!p0 $0x0  }
0xe5: {  	[sflag:s0] =	ssyncadd.s32 @!p0 s1  }
0xe6: {  	[bflag:$0x3] =	sbarrier.arrive $0xFFFF  }
0xe7: {  	_ =	shalt  }

</sc_bundles>
